<compile_context>
chip_gen: v7x
topology: tpu7x:2x2x1
jax: 0.10.2.dev20260603
libtpu: 0.0.44.dev20260713+nightly
codegen_flags: <defaults>
</compile_context>

<pallas_src>
import jax
import jax.numpy as jnp
from jax import lax
from jax.experimental import pallas as pl
from jax.experimental.pallas import tpu as pltpu
from jax.experimental.pallas import tpu_sc as plsc

D_MODEL = 128
HIST = 50
HIST_PAD = 56
NBUF = 8
LAG = 6


def _gather_body(table_hbm, x_hbm, out_hbm, idx_v, rows_v, gsem, wsem):
    num_cores = 2
    wid = lax.axis_index("s") * num_cores + lax.axis_index("c")
    n_chunks = idx_v.shape[0]
    out_base = wid * n_chunks
    pltpu.sync_copy(x_hbm.at[pl.ds(wid * n_chunks, n_chunks)], idx_v)

    def start_gather(c, b):
        pltpu.async_copy(table_hbm.at[idx_v.at[c]], rows_v.at[b], gsem.at[b])

    def start_write(c, b):
        pltpu.async_copy(rows_v.at[b], out_hbm.at[out_base + c], wsem.at[b])

    def wait_gather(c, b):
        pltpu.make_async_copy(
            table_hbm.at[idx_v.at[c]], rows_v.at[b], gsem.at[b]).wait()

    def wait_write(b):
        pltpu.make_async_copy(
            rows_v.at[b], out_hbm.at[0], wsem.at[b]).wait()

    def step(c, b):
        if c_is_static := isinstance(c, int):
            assert b == c % NBUF
        if not c_is_static or c >= NBUF:
            wait_write(b)
        start_gather(c, b)
        d = (b - LAG) % NBUF
        if not c_is_static or c >= LAG:
            wait_gather(c - LAG, d)
            start_write(c - LAG, d)

    for c in range(NBUF):
        step(c, c % NBUF)

    n_main = (n_chunks - NBUF) // NBUF * NBUF
    def body(g, carry):
        c0 = NBUF + g * NBUF
        for j in range(NBUF):
            step(c0 + j, j)
        return carry
    lax.fori_loop(0, n_main // NBUF, body, 0)

    for c in range(NBUF + n_main, n_chunks):
        step(c, c % NBUF)

    for c in range(n_chunks - LAG, n_chunks):
        b = c % NBUF
        wait_gather(c, b)
        start_write(c, b)
    for b in range(NBUF):
        wait_write(b)


def kernel(x, table):
    batch, hist = x.shape
    info = plsc.get_sparse_core_info()
    nw = info.num_cores * info.num_subcores
    n_chunks = batch // nw

    mesh = plsc.VectorSubcoreMesh(core_axis_name="c", subcore_axis_name="s")
    run = pl.kernel(
        _gather_body,
        out_type=jax.ShapeDtypeStruct((batch, hist, D_MODEL), jnp.float32),
        mesh=mesh,
        scratch_types=[
            pltpu.VMEM((n_chunks, HIST), jnp.int32),
            pltpu.VMEM((NBUF, HIST, D_MODEL), jnp.float32),
            pltpu.SemaphoreType.DMA((NBUF,)),
            pltpu.SemaphoreType.DMA((NBUF,)),
        ],
    )
    return run(table, x)

# --- scband reference (transcript-rebuilt; emitter-appended) ---
"""Pipeline reference for scband-riemann-embedding-37529424233035 (READ-ONLY COPY).

The authoritative reference and input builder live on the scoring server;
editing this copy changes nothing except your own understanding.
"""

import jax, jax.numpy as jnp
import numpy as np

D_MODEL = 128
MAX_LEN = 100000
BATCH = 4096
HIST = 50

def setup_inputs(seed: int = 0) -> dict:
    key = jax.random.key(seed)
    k_idx, k_tab = jax.random.split(key)
    x = jax.random.randint(k_idx, (BATCH, HIST), 0, MAX_LEN, dtype=jnp.int32)
    # learned embedding table (nn.Embedding weight), N(0,1) init like torch default
    table = jax.random.normal(k_tab, (MAX_LEN, D_MODEL), dtype=jnp.float32)
    return {"x": x, "table": table}

def reference(x, table):
    # learnable=True branch: out = embedding(x) -> gather rows of table
    return jnp.take(table, x, axis=0)

if __name__ == "__main__":
    import jax
    _d = setup_inputs()
    print(jax.jit(kernel)(*tuple(_d.values())))

</pallas_src>

<mosaic_0001>
#map = affine_map<(d0, d1) -> (0, 0)>
#map1 = affine_map<(d0, d1) -> (0, 0, 0)>
module attributes {stable_mosaic.version = 14 : i64} {
  func.func @_gather_body(%arg0: i32, %arg1: i32, %arg2: memref<100000x128xf32, #tpu.memory_space<hbm>>, %arg3: memref<4096x50xi32, #tpu.memory_space<hbm>>, %arg4: memref<4096x50x128xf32, #tpu.memory_space<hbm>>, %arg5: memref<128x50xi32, #tpu.memory_space<vmem>>, %arg6: memref<8x50x128xf32, #tpu.memory_space<vmem>>, %arg7: memref<8x!tpu.dma_semaphore, #tpu.memory_space<semaphore_mem>>, %arg8: memref<8x!tpu.dma_semaphore, #tpu.memory_space<semaphore_mem>>) attributes {dimension_semantics = [#tpu.dimension_semantics<core_parallel>, #tpu.dimension_semantics<subcore_parallel>], iteration_bounds = array<i64: 2, 16>, scalar_prefetch = 0 : i64, scratch_operands = 4 : i64, tpu.core_type = #tpu.core_type<sc_vector_subcore>, window_params = [{transform_indices = #map}, {transform_indices = #map}, {transform_indices = #map1}]} {
    %mul3A = arith.constant 2 : i32
    %mul3A_0 = arith.muli %arg1, %mul3A : i32
    %add3A = arith.addi %mul3A_0, %arg0 : i32
    %mul3A_1 = arith.constant 128 : i32
    %mul3A_2 = arith.muli %add3A, %mul3A_1 : i32
    %mul3A_3 = arith.constant 128 : i32
    %mul3A_4 = arith.muli %add3A, %mul3A_3 : i32
    "tpu.region"() ({
      %run_scoped3A = tpu.sem_alloc : memref<!tpu.dma_semaphore, #tpu.memory_space<semaphore_mem>>
      %dma_start3A_592 = arith.constant 0 : i32
      %dma_start3A_593 = tpu.memref_slice %arg3[%mul3A_4, %dma_start3A_592] : memref<4096x50xi32, #tpu.memory_space<hbm>> -> memref<128x50xi32, #tpu.memory_space<hbm>>
      %dma_start3A_594 = arith.constant 0 : i32
      %dma_start3A_595 = tpu.memref_slice %arg3[%mul3A_4, %dma_start3A_594] : memref<4096x50xi32, #tpu.memory_space<hbm>> -> memref<128x50xi32, #tpu.memory_space<hbm>>
      tpu.enqueue_dma source(%dma_start3A_595 : memref<128x50xi32, #tpu.memory_space<hbm>>) target(%arg5 : memref<128x50xi32, #tpu.memory_space<vmem>>) target_semaphore(%run_scoped3A : memref<!tpu.dma_semaphore, #tpu.memory_space<semaphore_mem>>)
      %dma_wait3A_596 = arith.constant 0 : i32
      %dma_wait3A_597 = tpu.memref_slice %arg3[%mul3A_4, %dma_wait3A_596] : memref<4096x50xi32, #tpu.memory_space<hbm>> -> memref<128x50xi32, #tpu.memory_space<hbm>>
      %dma_wait3A_598 = arith.constant 0 : i32
      %dma_wait3A_599 = tpu.memref_slice %arg3[%mul3A_4, %dma_wait3A_598] : memref<4096x50xi32, #tpu.memory_space<hbm>> -> memref<128x50xi32, #tpu.memory_space<hbm>>
      tpu.wait_dma2 semaphore(%run_scoped3A : memref<!tpu.dma_semaphore, #tpu.memory_space<semaphore_mem>>) src(%dma_wait3A_599 : memref<128x50xi32, #tpu.memory_space<hbm>>) dst(%arg5 : memref<128x50xi32, #tpu.memory_space<vmem>>)
      tpu.yield
    }) : () -> ()
    %dma_start3A = arith.constant 0 : i32
    %dma_start3A_5 = arith.constant 0 : i32
    %dma_start3A_6 = arith.constant 0 : i32
    %dma_start3A_7 = arith.constant 0 : i32
    %dma_start3A_8 = arith.constant 0 : i32
    %dma_start3A_9 = tpu.memref_slice %arg6[%dma_start3A_5, %dma_start3A_7, %dma_start3A_8] : memref<8x50x128xf32, #tpu.memory_space<vmem>> -> memref<1x50x128xf32, #tpu.memory_space<vmem>>
    %dma_start3A_10 = tpu.memref_squeeze %dma_start3A_9 : memref<1x50x128xf32, #tpu.memory_space<vmem>> -> memref<50x128xf32, #tpu.memory_space<vmem>>
    %dma_start3A_11 = arith.constant 0 : i32
    %dma_start3A_12 = tpu.memref_slice %arg5[%dma_start3A, %dma_start3A_11] : memref<128x50xi32, #tpu.memory_space<vmem>> -> memref<1x50xi32, #tpu.memory_space<vmem>>
    %dma_start3A_13 = tpu.memref_squeeze %dma_start3A_12 : memref<1x50xi32, #tpu.memory_space<vmem>> -> memref<50xi32, #tpu.memory_space<vmem>>
    %dma_start3A_14 = arith.constant 0 : i32
    %dma_start3A_15 = arith.constant 0 : i32
    %dma_start3A_16 = tpu.memref_slice %arg2[%dma_start3A_14, %dma_start3A_15] : memref<100000x128xf32, #tpu.memory_space<hbm>> -> memref<100000x128xf32, #tpu.memory_space<hbm>>
    %dma_start3A_17 = tpu.memref_slice %arg7[%dma_start3A_6] : memref<8x!tpu.dma_semaphore, #tpu.memory_space<semaphore_mem>> -> memref<1x!tpu.dma_semaphore, #tpu.memory_space<semaphore_mem>>
    %dma_start3A_18 = tpu.memref_squeeze %dma_start3A_17 : memref<1x!tpu.dma_semaphore, #tpu.memory_space<semaphore_mem>> -> memref<!tpu.dma_semaphore, #tpu.memory_space<semaphore_mem>>
    tpu.enqueue_indirect_dma source(%dma_start3A_16 : memref<100000x128xf32, #tpu.memory_space<hbm>>) target(%dma_start3A_10 : memref<50x128xf32, #tpu.memory_space<vmem>>) offsets(%dma_start3A_13 : memref<50xi32, #tpu.memory_space<vmem>>) semaphore(%dma_start3A_18 : memref<!tpu.dma_semaphore, #tpu.memory_space<semaphore_mem>>)
    %dma_start3A_19 = arith.constant 1 : i32
    %dma_start3A_20 = arith.constant 1 : i32
    %dma_start3A_21 = arith.constant 1 : i32
    %dma_start3A_22 = arith.constant 0 : i32
    %dma_start3A_23 = arith.constant 0 : i32
    %dma_start3A_24 = tpu.memref_slice %arg6[%dma_start3A_20, %dma_start3A_22, %dma_start3A_23] : memref<8x50x128xf32, #tpu.memory_space<vmem>> -> memref<1x50x128xf32, #tpu.memory_space<vmem>>
    %dma_start3A_25 = tpu.memref_squeeze %dma_start3A_24 : memref<1x50x128xf32, #tpu.memory_space<vmem>> -> memref<50x128xf32, #tpu.memory_space<vmem>>
    %dma_start3A_26 = arith.constant 0 : i32
    %dma_start3A_27 = tpu.memref_slice %arg5[%dma_start3A_19, %dma_start3A_26] : memref<128x50xi32, #tpu.memory_space<vmem>> -> memref<1x50xi32, #tpu.memory_space<vmem>>
    %dma_start3A_28 = tpu.memref_squeeze %dma_start3A_27 : memref<1x50xi32, #tpu.memory_space<vmem>> -> memref<50xi32, #tpu.memory_space<vmem>>
    %dma_start3A_29 = arith.constant 0 : i32
    %dma_start3A_30 = arith.constant 0 : i32
    %dma_start3A_31 = tpu.memref_slice %arg2[%dma_start3A_29, %dma_start3A_30] : memref<100000x128xf32, #tpu.memory_space<hbm>> -> memref<100000x128xf32, #tpu.memory_space<hbm>>
    %dma_start3A_32 = tpu.memref_slice %arg7[%dma_start3A_21] : memref<8x!tpu.dma_semaphore, #tpu.memory_space<semaphore_mem>> -> memref<1x!tpu.dma_semaphore, #tpu.memory_space<semaphore_mem>>
    %dma_start3A_33 = tpu.memref_squeeze %dma_start3A_32 : memref<1x!tpu.dma_semaphore, #tpu.memory_space<semaphore_mem>> -> memref<!tpu.dma_semaphore, #tpu.memory_space<semaphore_mem>>
    tpu.enqueue_indirect_dma source(%dma_start3A_31 : memref<100000x128xf32, #tpu.memory_space<hbm>>) target(%dma_start3A_25 : memref<50x128xf32, #tpu.memory_space<vmem>>) offsets(%dma_start3A_28 : memref<50xi32, #tpu.memory_space<vmem>>) semaphore(%dma_start3A_33 : memref<!tpu.dma_semaphore, #tpu.memory_space<semaphore_mem>>)
    %dma_start3A_34 = arith.constant 2 : i32
    %dma_start3A_35 = arith.constant 2 : i32
    %dma_start3A_36 = arith.constant 2 : i32
    %dma_start3A_37 = arith.constant 0 : i32
    %dma_start3A_38 = arith.constant 0 : i32
    %dma_start3A_39 = tpu.memref_slice %arg6[%dma_start3A_35, %dma_start3A_37, %dma_start3A_38] : memref<8x50x128xf32, #tpu.memory_space<vmem>> -> memref<1x50x128xf32, #tpu.memory_space<vmem>>
    %dma_start3A_40 = tpu.memref_squeeze %dma_start3A_39 : memref<1x50x128xf32, #tpu.memory_space<vmem>> -> memref<50x128xf32, #tpu.memory_space<vmem>>
    %dma_start3A_41 = arith.constant 0 : i32
    %dma_start3A_42 = tpu.memref_slice %arg5[%dma_start3A_34, %dma_start3A_41] : memref<128x50xi32, #tpu.memory_space<vmem>> -> memref<1x50xi32, #tpu.memory_space<vmem>>
    %dma_start3A_43 = tpu.memref_squeeze %dma_start3A_42 : memref<1x50xi32, #tpu.memory_space<vmem>> -> memref<50xi32, #tpu.memory_space<vmem>>
    %dma_start3A_44 = arith.constant 0 : i32
    %dma_start3A_45 = arith.constant 0 : i32
    %dma_start3A_46 = tpu.memref_slice %arg2[%dma_start3A_44, %dma_start3A_45] : memref<100000x128xf32, #tpu.memory_space<hbm>> -> memref<100000x128xf32, #tpu.memory_space<hbm>>
    %dma_start3A_47 = tpu.memref_slice %arg7[%dma_start3A_36] : memref<8x!tpu.dma_semaphore, #tpu.memory_space<semaphore_mem>> -> memref<1x!tpu.dma_semaphore, #tpu.memory_space<semaphore_mem>>
    %dma_start3A_48 = tpu.memref_squeeze %dma_start3A_47 : memref<1x!tpu.dma_semaphore, #tpu.memory_space<semaphore_mem>> -> memref<!tpu.dma_semaphore, #tpu.memory_space<semaphore_mem>>
    tpu.enqueue_indirect_dma source(%dma_start3A_46 : memref<100000x128xf32, #tpu.memory_space<hbm>>) target(%dma_start3A_40 : memref<50x128xf32, #tpu.memory_space<vmem>>) offsets(%dma_start3A_43 : memref<50xi32, #tpu.memory_space<vmem>>) semaphore(%dma_start3A_48 : memref<!tpu.dma_semaphore, #tpu.memory_space<semaphore_mem>>)
    %dma_start3A_49 = arith.constant 3 : i32
    %dma_start3A_50 = arith.constant 3 : i32
    %dma_start3A_51 = arith.constant 3 : i32
    %dma_start3A_52 = arith.constant 0 : i32
    %dma_start3A_53 = arith.constant 0 : i32
    %dma_start3A_54 = tpu.memref_slice %arg6[%dma_start3A_50, %dma_start3A_52, %dma_start3A_53] : memref<8x50x128xf32, #tpu.memory_space<vmem>> -> memref<1x50x128xf32, #tpu.memory_space<vmem>>
    %dma_start3A_55 = tpu.memref_squeeze %dma_start3A_54 : memref<1x50x128xf32, #tpu.memory_space<vmem>> -> memref<50x128xf32, #tpu.memory_space<vmem>>
    %dma_start3A_56 = arith.constant 0 : i32
    %dma_start3A_57 = tpu.memref_slice %arg5[%dma_start3A_49, %dma_start3A_56] : memref<128x50xi32, #tpu.memory_space<vmem>> -> memref<1x50xi32, #tpu.memory_space<vmem>>
    %dma_start3A_58 = tpu.memref_squeeze %dma_start3A_57 : memref<1x50xi32, #tpu.memory_space<vmem>> -> memref<50xi32, #tpu.memory_space<vmem>>
    %dma_start3A_59 = arith.constant 0 : i32
    %dma_start3A_60 = arith.constant 0 : i32
    %dma_start3A_61 = tpu.memref_slice %arg2[%dma_start3A_59, %dma_start3A_60] : memref<100000x128xf32, #tpu.memory_space<hbm>> -> memref<100000x128xf32, #tpu.memory_space<hbm>>
    %dma_start3A_62 = tpu.memref_slice %arg7[%dma_start3A_51] : memref<8x!tpu.dma_semaphore, #tpu.memory_space<semaphore_mem>> -> memref<1x!tpu.dma_semaphore, #tpu.memory_space<semaphore_mem>>
    %dma_start3A_63 = tpu.memref_squeeze %dma_start3A_62 : memref<1x!tpu.dma_semaphore, #tpu.memory_space<semaphore_mem>> -> memref<!tpu.dma_semaphore, #tpu.memory_space<semaphore_mem>>
    tpu.enqueue_indirect_dma source(%dma_start3A_61 : memref<100000x128xf32, #tpu.memory_space<hbm>>) target(%dma_start3A_55 : memref<50x128xf32, #tpu.memory_space<vmem>>) offsets(%dma_start3A_58 : memref<50xi32, #tpu.memory_space<vmem>>) semaphore(%dma_start3A_63 : memref<!tpu.dma_semaphore, #tpu.memory_space<semaphore_mem>>)
    %dma_start3A_64 = arith.constant 4 : i32
    %dma_start3A_65 = arith.constant 4 : i32
    %dma_start3A_66 = arith.constant 4 : i32
    %dma_start3A_67 = arith.constant 0 : i32
    %dma_start3A_68 = arith.constant 0 : i32
    %dma_start3A_69 = tpu.memref_slice %arg6[%dma_start3A_65, %dma_start3A_67, %dma_start3A_68] : memref<8x50x128xf32, #tpu.memory_space<vmem>> -> memref<1x50x128xf32, #tpu.memory_space<vmem>>
    %dma_start3A_70 = tpu.memref_squeeze %dma_start3A_69 : memref<1x50x128xf32, #tpu.memory_space<vmem>> -> memref<50x128xf32, #tpu.memory_space<vmem>>
    %dma_start3A_71 = arith.constant 0 : i32
    %dma_start3A_72 = tpu.memref_slice %arg5[%dma_start3A_64, %dma_start3A_71] : memref<128x50xi32, #tpu.memory_space<vmem>> -> memref<1x50xi32, #tpu.memory_space<vmem>>
    %dma_start3A_73 = tpu.memref_squeeze %dma_start3A_72 : memref<1x50xi32, #tpu.memory_space<vmem>> -> memref<50xi32, #tpu.memory_space<vmem>>
    %dma_start3A_74 = arith.constant 0 : i32
    %dma_start3A_75 = arith.constant 0 : i32
    %dma_start3A_76 = tpu.memref_slice %arg2[%dma_start3A_74, %dma_start3A_75] : memref<100000x128xf32, #tpu.memory_space<hbm>> -> memref<100000x128xf32, #tpu.memory_space<hbm>>
    %dma_start3A_77 = tpu.memref_slice %arg7[%dma_start3A_66] : memref<8x!tpu.dma_semaphore, #tpu.memory_space<semaphore_mem>> -> memref<1x!tpu.dma_semaphore, #tpu.memory_space<semaphore_mem>>
    %dma_start3A_78 = tpu.memref_squeeze %dma_start3A_77 : memref<1x!tpu.dma_semaphore, #tpu.memory_space<semaphore_mem>> -> memref<!tpu.dma_semaphore, #tpu.memory_space<semaphore_mem>>
    tpu.enqueue_indirect_dma source(%dma_start3A_76 : memref<100000x128xf32, #tpu.memory_space<hbm>>) target(%dma_start3A_70 : memref<50x128xf32, #tpu.memory_space<vmem>>) offsets(%dma_start3A_73 : memref<50xi32, #tpu.memory_space<vmem>>) semaphore(%dma_start3A_78 : memref<!tpu.dma_semaphore, #tpu.memory_space<semaphore_mem>>)
    %dma_start3A_79 = arith.constant 5 : i32
    %dma_start3A_80 = arith.constant 5 : i32
    %dma_start3A_81 = arith.constant 5 : i32
    %dma_start3A_82 = arith.constant 0 : i32
    %dma_start3A_83 = arith.constant 0 : i32
    %dma_start3A_84 = tpu.memref_slice %arg6[%dma_start3A_80, %dma_start3A_82, %dma_start3A_83] : memref<8x50x128xf32, #tpu.memory_space<vmem>> -> memref<1x50x128xf32, #tpu.memory_space<vmem>>
    %dma_start3A_85 = tpu.memref_squeeze %dma_start3A_84 : memref<1x50x128xf32, #tpu.memory_space<vmem>> -> memref<50x128xf32, #tpu.memory_space<vmem>>
    %dma_start3A_86 = arith.constant 0 : i32
    %dma_start3A_87 = tpu.memref_slice %arg5[%dma_start3A_79, %dma_start3A_86] : memref<128x50xi32, #tpu.memory_space<vmem>> -> memref<1x50xi32, #tpu.memory_space<vmem>>
    %dma_start3A_88 = tpu.memref_squeeze %dma_start3A_87 : memref<1x50xi32, #tpu.memory_space<vmem>> -> memref<50xi32, #tpu.memory_space<vmem>>
    %dma_start3A_89 = arith.constant 0 : i32
    %dma_start3A_90 = arith.constant 0 : i32
    %dma_start3A_91 = tpu.memref_slice %arg2[%dma_start3A_89, %dma_start3A_90] : memref<100000x128xf32, #tpu.memory_space<hbm>> -> memref<100000x128xf32, #tpu.memory_space<hbm>>
    %dma_start3A_92 = tpu.memref_slice %arg7[%dma_start3A_81] : memref<8x!tpu.dma_semaphore, #tpu.memory_space<semaphore_mem>> -> memref<1x!tpu.dma_semaphore, #tpu.memory_space<semaphore_mem>>
    %dma_start3A_93 = tpu.memref_squeeze %dma_start3A_92 : memref<1x!tpu.dma_semaphore, #tpu.memory_space<semaphore_mem>> -> memref<!tpu.dma_semaphore, #tpu.memory_space<semaphore_mem>>
    tpu.enqueue_indirect_dma source(%dma_start3A_91 : memref<100000x128xf32, #tpu.memory_space<hbm>>) target(%dma_start3A_85 : memref<50x128xf32, #tpu.memory_space<vmem>>) offsets(%dma_start3A_88 : memref<50xi32, #tpu.memory_space<vmem>>) semaphore(%dma_start3A_93 : memref<!tpu.dma_semaphore, #tpu.memory_space<semaphore_mem>>)
    %dma_start3A_94 = arith.constant 6 : i32
    %dma_start3A_95 = arith.constant 6 : i32
    %dma_start3A_96 = arith.constant 6 : i32
    %dma_start3A_97 = arith.constant 0 : i32
    %dma_start3A_98 = arith.constant 0 : i32
    %dma_start3A_99 = tpu.memref_slice %arg6[%dma_start3A_95, %dma_start3A_97, %dma_start3A_98] : memref<8x50x128xf32, #tpu.memory_space<vmem>> -> memref<1x50x128xf32, #tpu.memory_space<vmem>>
    %dma_start3A_100 = tpu.memref_squeeze %dma_start3A_99 : memref<1x50x128xf32, #tpu.memory_space<vmem>> -> memref<50x128xf32, #tpu.memory_space<vmem>>
    %dma_start3A_101 = arith.constant 0 : i32
    %dma_start3A_102 = tpu.memref_slice %arg5[%dma_start3A_94, %dma_start3A_101] : memref<128x50xi32, #tpu.memory_space<vmem>> -> memref<1x50xi32, #tpu.memory_space<vmem>>
    %dma_start3A_103 = tpu.memref_squeeze %dma_start3A_102 : memref<1x50xi32, #tpu.memory_space<vmem>> -> memref<50xi32, #tpu.memory_space<vmem>>
    %dma_start3A_104 = arith.constant 0 : i32
    %dma_start3A_105 = arith.constant 0 : i32
    %dma_start3A_106 = tpu.memref_slice %arg2[%dma_start3A_104, %dma_start3A_105] : memref<100000x128xf32, #tpu.memory_space<hbm>> -> memref<100000x128xf32, #tpu.memory_space<hbm>>
    %dma_start3A_107 = tpu.memref_slice %arg7[%dma_start3A_96] : memref<8x!tpu.dma_semaphore, #tpu.memory_space<semaphore_mem>> -> memref<1x!tpu.dma_semaphore, #tpu.memory_space<semaphore_mem>>
    %dma_start3A_108 = tpu.memref_squeeze %dma_start3A_107 : memref<1x!tpu.dma_semaphore, #tpu.memory_space<semaphore_mem>> -> memref<!tpu.dma_semaphore, #tpu.memory_space<semaphore_mem>>
    tpu.enqueue_indirect_dma source(%dma_start3A_106 : memref<100000x128xf32, #tpu.memory_space<hbm>>) target(%dma_start3A_100 : memref<50x128xf32, #tpu.memory_space<vmem>>) offsets(%dma_start3A_103 : memref<50xi32, #tpu.memory_space<vmem>>) semaphore(%dma_start3A_108 : memref<!tpu.dma_semaphore, #tpu.memory_space<semaphore_mem>>)
    %dma_wait3A = arith.constant 0 : i32
    %dma_wait3A_109 = arith.constant 0 : i32
    %dma_wait3A_110 = arith.constant 0 : i32
    %dma_wait3A_111 = arith.constant 0 : i32
    %dma_wait3A_112 = arith.constant 0 : i32
    %dma_wait3A_113 = tpu.memref_slice %arg6[%dma_wait3A_109, %dma_wait3A_111, %dma_wait3A_112] : memref<8x50x128xf32, #tpu.memory_space<vmem>> -> memref<1x50x128xf32, #tpu.memory_space<vmem>>
    %dma_wait3A_114 = tpu.memref_squeeze %dma_wait3A_113 : memref<1x50x128xf32, #tpu.memory_space<vmem>> -> memref<50x128xf32, #tpu.memory_space<vmem>>
    %dma_wait3A_115 = arith.constant 0 : i32
    %dma_wait3A_116 = tpu.memref_slice %arg5[%dma_wait3A, %dma_wait3A_115] : memref<128x50xi32, #tpu.memory_space<vmem>> -> memref<1x50xi32, #tpu.memory_space<vmem>>
    %dma_wait3A_117 = tpu.memref_squeeze %dma_wait3A_116 : memref<1x50xi32, #tpu.memory_space<vmem>> -> memref<50xi32, #tpu.memory_space<vmem>>
    %dma_wait3A_118 = arith.constant 0 : i32
    %dma_wait3A_119 = arith.constant 0 : i32
    %dma_wait3A_120 = tpu.memref_slice %arg2[%dma_wait3A_118, %dma_wait3A_119] : memref<100000x128xf32, #tpu.memory_space<hbm>> -> memref<100000x128xf32, #tpu.memory_space<hbm>>
    %dma_wait3A_121 = tpu.memref_slice %arg7[%dma_wait3A_110] : memref<8x!tpu.dma_semaphore, #tpu.memory_space<semaphore_mem>> -> memref<1x!tpu.dma_semaphore, #tpu.memory_space<semaphore_mem>>
    %dma_wait3A_122 = tpu.memref_squeeze %dma_wait3A_121 : memref<1x!tpu.dma_semaphore, #tpu.memory_space<semaphore_mem>> -> memref<!tpu.dma_semaphore, #tpu.memory_space<semaphore_mem>>
    tpu.wait_indirect_dma semaphore(%dma_wait3A_122 : memref<!tpu.dma_semaphore, #tpu.memory_space<semaphore_mem>>) src(%dma_wait3A_120 : memref<100000x128xf32, #tpu.memory_space<hbm>>) dst(%dma_wait3A_114 : memref<50x128xf32, #tpu.memory_space<vmem>>)
    %add3A_123 = arith.constant 0 : i32
    %add3A_124 = arith.addi %mul3A_2, %add3A_123 : i32
    %dma_start3A_125 = arith.constant 0 : i32
    %dma_start3A_126 = arith.constant 0 : i32
    %dma_start3A_127 = arith.constant 0 : i32
    %dma_start3A_128 = arith.constant 0 : i32
    %dma_start3A_129 = tpu.memref_slice %arg6[%dma_start3A_125, %dma_start3A_127, %dma_start3A_128] : memref<8x50x128xf32, #tpu.memory_space<vmem>> -> memref<1x50x128xf32, #tpu.memory_space<vmem>>
    %dma_start3A_130 = tpu.memref_squeeze %dma_start3A_129 : memref<1x50x128xf32, #tpu.memory_space<vmem>> -> memref<50x128xf32, #tpu.memory_space<vmem>>
    %dma_start3A_131 = arith.constant 0 : i32
    %dma_start3A_132 = arith.constant 0 : i32
    %dma_start3A_133 = tpu.memref_slice %arg4[%add3A_124, %dma_start3A_131, %dma_start3A_132] : memref<4096x50x128xf32, #tpu.memory_space<hbm>> -> memref<1x50x128xf32, #tpu.memory_space<hbm>>
    %dma_start3A_134 = tpu.memref_squeeze %dma_start3A_133 : memref<1x50x128xf32, #tpu.memory_space<hbm>> -> memref<50x128xf32, #tpu.memory_space<hbm>>
    %dma_start3A_135 = tpu.memref_slice %arg8[%dma_start3A_126] : memref<8x!tpu.dma_semaphore, #tpu.memory_space<semaphore_mem>> -> memref<1x!tpu.dma_semaphore, #tpu.memory_space<semaphore_mem>>
    %dma_start3A_136 = tpu.memref_squeeze %dma_start3A_135 : memref<1x!tpu.dma_semaphore, #tpu.memory_space<semaphore_mem>> -> memref<!tpu.dma_semaphore, #tpu.memory_space<semaphore_mem>>
    %dma_start3A_137 = arith.constant 0 : i32
    %dma_start3A_138 = arith.constant 0 : i32
    %dma_start3A_139 = tpu.memref_slice %arg4[%add3A_124, %dma_start3A_137, %dma_start3A_138] : memref<4096x50x128xf32, #tpu.memory_space<hbm>> -> memref<1x50x128xf32, #tpu.memory_space<hbm>>
    %dma_start3A_140 = tpu.memref_squeeze %dma_start3A_139 : memref<1x50x128xf32, #tpu.memory_space<hbm>> -> memref<50x128xf32, #tpu.memory_space<hbm>>
    %dma_start3A_141 = arith.constant 0 : i32
    %dma_start3A_142 = arith.constant 0 : i32
    %dma_start3A_143 = tpu.memref_slice %arg6[%dma_start3A_125, %dma_start3A_141, %dma_start3A_142] : memref<8x50x128xf32, #tpu.memory_space<vmem>> -> memref<1x50x128xf32, #tpu.memory_space<vmem>>
    %dma_start3A_144 = tpu.memref_squeeze %dma_start3A_143 : memref<1x50x128xf32, #tpu.memory_space<vmem>> -> memref<50x128xf32, #tpu.memory_space<vmem>>
    tpu.enqueue_dma source(%dma_start3A_144 : memref<50x128xf32, #tpu.memory_space<vmem>>) target(%dma_start3A_140 : memref<50x128xf32, #tpu.memory_space<hbm>>) target_semaphore(%dma_start3A_136 : memref<!tpu.dma_semaphore, #tpu.memory_space<semaphore_mem>>)
    %dma_start3A_145 = arith.constant 7 : i32
    %dma_start3A_146 = arith.constant 7 : i32
    %dma_start3A_147 = arith.constant 7 : i32
    %dma_start3A_148 = arith.constant 0 : i32
    %dma_start3A_149 = arith.constant 0 : i32
    %dma_start3A_150 = tpu.memref_slice %arg6[%dma_start3A_146, %dma_start3A_148, %dma_start3A_149] : memref<8x50x128xf32, #tpu.memory_space<vmem>> -> memref<1x50x128xf32, #tpu.memory_space<vmem>>
    %dma_start3A_151 = tpu.memref_squeeze %dma_start3A_150 : memref<1x50x128xf32, #tpu.memory_space<vmem>> -> memref<50x128xf32, #tpu.memory_space<vmem>>
    %dma_start3A_152 = arith.constant 0 : i32
    %dma_start3A_153 = tpu.memref_slice %arg5[%dma_start3A_145, %dma_start3A_152] : memref<128x50xi32, #tpu.memory_space<vmem>> -> memref<1x50xi32, #tpu.memory_space<vmem>>
    %dma_start3A_154 = tpu.memref_squeeze %dma_start3A_153 : memref<1x50xi32, #tpu.memory_space<vmem>> -> memref<50xi32, #tpu.memory_space<vmem>>
    %dma_start3A_155 = arith.constant 0 : i32
    %dma_start3A_156 = arith.constant 0 : i32
    %dma_start3A_157 = tpu.memref_slice %arg2[%dma_start3A_155, %dma_start3A_156] : memref<100000x128xf32, #tpu.memory_space<hbm>> -> memref<100000x128xf32, #tpu.memory_space<hbm>>
    %dma_start3A_158 = tpu.memref_slice %arg7[%dma_start3A_147] : memref<8x!tpu.dma_semaphore, #tpu.memory_space<semaphore_mem>> -> memref<1x!tpu.dma_semaphore, #tpu.memory_space<semaphore_mem>>
    %dma_start3A_159 = tpu.memref_squeeze %dma_start3A_158 : memref<1x!tpu.dma_semaphore, #tpu.memory_space<semaphore_mem>> -> memref<!tpu.dma_semaphore, #tpu.memory_space<semaphore_mem>>
    tpu.enqueue_indirect_dma source(%dma_start3A_157 : memref<100000x128xf32, #tpu.memory_space<hbm>>) target(%dma_start3A_151 : memref<50x128xf32, #tpu.memory_space<vmem>>) offsets(%dma_start3A_154 : memref<50xi32, #tpu.memory_space<vmem>>) semaphore(%dma_start3A_159 : memref<!tpu.dma_semaphore, #tpu.memory_space<semaphore_mem>>)
    %dma_wait3A_160 = arith.constant 1 : i32
    %dma_wait3A_161 = arith.constant 1 : i32
    %dma_wait3A_162 = arith.constant 1 : i32
    %dma_wait3A_163 = arith.constant 0 : i32
    %dma_wait3A_164 = arith.constant 0 : i32
    %dma_wait3A_165 = tpu.memref_slice %arg6[%dma_wait3A_161, %dma_wait3A_163, %dma_wait3A_164] : memref<8x50x128xf32, #tpu.memory_space<vmem>> -> memref<1x50x128xf32, #tpu.memory_space<vmem>>
    %dma_wait3A_166 = tpu.memref_squeeze %dma_wait3A_165 : memref<1x50x128xf32, #tpu.memory_space<vmem>> -> memref<50x128xf32, #tpu.memory_space<vmem>>
    %dma_wait3A_167 = arith.constant 0 : i32
    %dma_wait3A_168 = tpu.memref_slice %arg5[%dma_wait3A_160, %dma_wait3A_167] : memref<128x50xi32, #tpu.memory_space<vmem>> -> memref<1x50xi32, #tpu.memory_space<vmem>>
    %dma_wait3A_169 = tpu.memref_squeeze %dma_wait3A_168 : memref<1x50xi32, #tpu.memory_space<vmem>> -> memref<50xi32, #tpu.memory_space<vmem>>
    %dma_wait3A_170 = arith.constant 0 : i32
    %dma_wait3A_171 = arith.constant 0 : i32
    %dma_wait3A_172 = tpu.memref_slice %arg2[%dma_wait3A_170, %dma_wait3A_171] : memref<100000x128xf32, #tpu.memory_space<hbm>> -> memref<100000x128xf32, #tpu.memory_space<hbm>>
    %dma_wait3A_173 = tpu.memref_slice %arg7[%dma_wait3A_162] : memref<8x!tpu.dma_semaphore, #tpu.memory_space<semaphore_mem>> -> memref<1x!tpu.dma_semaphore, #tpu.memory_space<semaphore_mem>>
    %dma_wait3A_174 = tpu.memref_squeeze %dma_wait3A_173 : memref<1x!tpu.dma_semaphore, #tpu.memory_space<semaphore_mem>> -> memref<!tpu.dma_semaphore, #tpu.memory_space<semaphore_mem>>
    tpu.wait_indirect_dma semaphore(%dma_wait3A_174 : memref<!tpu.dma_semaphore, #tpu.memory_space<semaphore_mem>>) src(%dma_wait3A_172 : memref<100000x128xf32, #tpu.memory_space<hbm>>) dst(%dma_wait3A_166 : memref<50x128xf32, #tpu.memory_space<vmem>>)
    %add3A_175 = arith.constant 1 : i32
    %add3A_176 = arith.addi %mul3A_2, %add3A_175 : i32
    %dma_start3A_177 = arith.constant 1 : i32
    %dma_start3A_178 = arith.constant 1 : i32
    %dma_start3A_179 = arith.constant 0 : i32
    %dma_start3A_180 = arith.constant 0 : i32
    %dma_start3A_181 = tpu.memref_slice %arg6[%dma_start3A_177, %dma_start3A_179, %dma_start3A_180] : memref<8x50x128xf32, #tpu.memory_space<vmem>> -> memref<1x50x128xf32, #tpu.memory_space<vmem>>
    %dma_start3A_182 = tpu.memref_squeeze %dma_start3A_181 : memref<1x50x128xf32, #tpu.memory_space<vmem>> -> memref<50x128xf32, #tpu.memory_space<vmem>>
    %dma_start3A_183 = arith.constant 0 : i32
    %dma_start3A_184 = arith.constant 0 : i32
    %dma_start3A_185 = tpu.memref_slice %arg4[%add3A_176, %dma_start3A_183, %dma_start3A_184] : memref<4096x50x128xf32, #tpu.memory_space<hbm>> -> memref<1x50x128xf32, #tpu.memory_space<hbm>>
    %dma_start3A_186 = tpu.memref_squeeze %dma_start3A_185 : memref<1x50x128xf32, #tpu.memory_space<hbm>> -> memref<50x128xf32, #tpu.memory_space<hbm>>
    %dma_start3A_187 = tpu.memref_slice %arg8[%dma_start3A_178] : memref<8x!tpu.dma_semaphore, #tpu.memory_space<semaphore_mem>> -> memref<1x!tpu.dma_semaphore, #tpu.memory_space<semaphore_mem>>
    %dma_start3A_188 = tpu.memref_squeeze %dma_start3A_187 : memref<1x!tpu.dma_semaphore, #tpu.memory_space<semaphore_mem>> -> memref<!tpu.dma_semaphore, #tpu.memory_space<semaphore_mem>>
    %dma_start3A_189 = arith.constant 0 : i32
    %dma_start3A_190 = arith.constant 0 : i32
    %dma_start3A_191 = tpu.memref_slice %arg4[%add3A_176, %dma_start3A_189, %dma_start3A_190] : memref<4096x50x128xf32, #tpu.memory_space<hbm>> -> memref<1x50x128xf32, #tpu.memory_space<hbm>>
    %dma_start3A_192 = tpu.memref_squeeze %dma_start3A_191 : memref<1x50x128xf32, #tpu.memory_space<hbm>> -> memref<50x128xf32, #tpu.memory_space<hbm>>
    %dma_start3A_193 = arith.constant 0 : i32
    %dma_start3A_194 = arith.constant 0 : i32
    %dma_start3A_195 = tpu.memref_slice %arg6[%dma_start3A_177, %dma_start3A_193, %dma_start3A_194] : memref<8x50x128xf32, #tpu.memory_space<vmem>> -> memref<1x50x128xf32, #tpu.memory_space<vmem>>
    %dma_start3A_196 = tpu.memref_squeeze %dma_start3A_195 : memref<1x50x128xf32, #tpu.memory_space<vmem>> -> memref<50x128xf32, #tpu.memory_space<vmem>>
    tpu.enqueue_dma source(%dma_start3A_196 : memref<50x128xf32, #tpu.memory_space<vmem>>) target(%dma_start3A_192 : memref<50x128xf32, #tpu.memory_space<hbm>>) target_semaphore(%dma_start3A_188 : memref<!tpu.dma_semaphore, #tpu.memory_space<semaphore_mem>>)
    %scan3A = arith.constant 0 : i32
    %scan3A_197 = arith.constant 0 : i32
    %scan3A_198 = arith.constant 15 : i32
    %scan3A_199 = arith.addi %scan3A_197, %scan3A_198 : i32
    %scan3A_200 = arith.constant 1 : i32
    scf.for %scan3A_592 = %scan3A_197 to %scan3A_199 step %scan3A_200  : i32 {
      %mul3A_593 = arith.constant 8 : i32
      %mul3A_594 = arith.muli %scan3A_592, %mul3A_593 : i32
      %add3A_595 = arith.constant 8 : i32
      %add3A_596 = arith.addi %add3A_595, %mul3A_594 : i32
      %add3A_597 = arith.constant 0 : i32
      %add3A_598 = arith.addi %add3A_596, %add3A_597 : i32
      %dma_wait3A_599 = arith.constant 0 : i32
      %dma_wait3A_600 = arith.constant 0 : i32
      %dma_wait3A_601 = arith.constant 0 : i32
      %dma_wait3A_602 = arith.constant 0 : i32
      %dma_wait3A_603 = arith.constant 0 : i32
      %dma_wait3A_604 = tpu.memref_slice %arg6[%dma_wait3A_599, %dma_wait3A_602, %dma_wait3A_603] : memref<8x50x128xf32, #tpu.memory_space<vmem>> -> memref<1x50x128xf32, #tpu.memory_space<vmem>>
      %dma_wait3A_605 = tpu.memref_squeeze %dma_wait3A_604 : memref<1x50x128xf32, #tpu.memory_space<vmem>> -> memref<50x128xf32, #tpu.memory_space<vmem>>
      %dma_wait3A_606 = arith.constant 0 : i32
      %dma_wait3A_607 = arith.constant 0 : i32
      %dma_wait3A_608 = tpu.memref_slice %arg4[%dma_wait3A_600, %dma_wait3A_606, %dma_wait3A_607] : memref<4096x50x128xf32, #tpu.memory_space<hbm>> -> memref<1x50x128xf32, #tpu.memory_space<hbm>>
      %dma_wait3A_609 = tpu.memref_squeeze %dma_wait3A_608 : memref<1x50x128xf32, #tpu.memory_space<hbm>> -> memref<50x128xf32, #tpu.memory_space<hbm>>
      %dma_wait3A_610 = tpu.memref_slice %arg8[%dma_wait3A_601] : memref<8x!tpu.dma_semaphore, #tpu.memory_space<semaphore_mem>> -> memref<1x!tpu.dma_semaphore, #tpu.memory_space<semaphore_mem>>
      %dma_wait3A_611 = tpu.memref_squeeze %dma_wait3A_610 : memref<1x!tpu.dma_semaphore, #tpu.memory_space<semaphore_mem>> -> memref<!tpu.dma_semaphore, #tpu.memory_space<semaphore_mem>>
      %dma_wait3A_612 = arith.constant 0 : i32
      %dma_wait3A_613 = arith.constant 0 : i32
      %dma_wait3A_614 = tpu.memref_slice %arg4[%dma_wait3A_600, %dma_wait3A_612, %dma_wait3A_613] : memref<4096x50x128xf32, #tpu.memory_space<hbm>> -> memref<1x50x128xf32, #tpu.memory_space<hbm>>
      %dma_wait3A_615 = tpu.memref_squeeze %dma_wait3A_614 : memref<1x50x128xf32, #tpu.memory_space<hbm>> -> memref<50x128xf32, #tpu.memory_space<hbm>>
      %dma_wait3A_616 = arith.constant 0 : i32
      %dma_wait3A_617 = arith.constant 0 : i32
      %dma_wait3A_618 = tpu.memref_slice %arg6[%dma_wait3A_599, %dma_wait3A_616, %dma_wait3A_617] : memref<8x50x128xf32, #tpu.memory_space<vmem>> -> memref<1x50x128xf32, #tpu.memory_space<vmem>>
      %dma_wait3A_619 = tpu.memref_squeeze %dma_wait3A_618 : memref<1x50x128xf32, #tpu.memory_space<vmem>> -> memref<50x128xf32, #tpu.memory_space<vmem>>
      tpu.wait_dma2 semaphore(%dma_wait3A_611 : memref<!tpu.dma_semaphore, #tpu.memory_space<semaphore_mem>>) src(%dma_wait3A_619 : memref<50x128xf32, #tpu.memory_space<vmem>>) dst(%dma_wait3A_615 : memref<50x128xf32, #tpu.memory_space<hbm>>)
      %dma_start3A_620 = arith.constant 0 : i32
      %dma_start3A_621 = arith.constant 0 : i32
      %dma_start3A_622 = arith.constant 0 : i32
      %dma_start3A_623 = arith.constant 0 : i32
      %dma_start3A_624 = tpu.memref_slice %arg6[%dma_start3A_620, %dma_start3A_622, %dma_start3A_623] : memref<8x50x128xf32, #tpu.memory_space<vmem>> -> memref<1x50x128xf32, #tpu.memory_space<vmem>>
      %dma_start3A_625 = tpu.memref_squeeze %dma_start3A_624 : memref<1x50x128xf32, #tpu.memory_space<vmem>> -> memref<50x128xf32, #tpu.memory_space<vmem>>
      %dma_start3A_626 = arith.constant 0 : i32
      %dma_start3A_627 = tpu.memref_slice %arg5[%add3A_598, %dma_start3A_626] : memref<128x50xi32, #tpu.memory_space<vmem>> -> memref<1x50xi32, #tpu.memory_space<vmem>>
      %dma_start3A_628 = tpu.memref_squeeze %dma_start3A_627 : memref<1x50xi32, #tpu.memory_space<vmem>> -> memref<50xi32, #tpu.memory_space<vmem>>
      %dma_start3A_629 = arith.constant 0 : i32
      %dma_start3A_630 = arith.constant 0 : i32
      %dma_start3A_631 = tpu.memref_slice %arg2[%dma_start3A_629, %dma_start3A_630] : memref<100000x128xf32, #tpu.memory_space<hbm>> -> memref<100000x128xf32, #tpu.memory_space<hbm>>
      %dma_start3A_632 = tpu.memref_slice %arg7[%dma_start3A_621] : memref<8x!tpu.dma_semaphore, #tpu.memory_space<semaphore_mem>> -> memref<1x!tpu.dma_semaphore, #tpu.memory_space<semaphore_mem>>
      %dma_start3A_633 = tpu.memref_squeeze %dma_start3A_632 : memref<1x!tpu.dma_semaphore, #tpu.memory_space<semaphore_mem>> -> memref<!tpu.dma_semaphore, #tpu.memory_space<semaphore_mem>>
      tpu.enqueue_indirect_dma source(%dma_start3A_631 : memref<100000x128xf32, #tpu.memory_space<hbm>>) target(%dma_start3A_625 : memref<50x128xf32, #tpu.memory_space<vmem>>) offsets(%dma_start3A_628 : memref<50xi32, #tpu.memory_space<vmem>>) semaphore(%dma_start3A_633 : memref<!tpu.dma_semaphore, #tpu.memory_space<semaphore_mem>>)
      %sub3A = arith.constant 6 : i32
      %sub3A_634 = arith.subi %add3A_598, %sub3A : i32
      %dma_wait3A_635 = arith.constant 2 : i32
      %dma_wait3A_636 = arith.constant 2 : i32
      %dma_wait3A_637 = arith.constant 0 : i32
      %dma_wait3A_638 = arith.constant 0 : i32
      %dma_wait3A_639 = tpu.memref_slice %arg6[%dma_wait3A_635, %dma_wait3A_637, %dma_wait3A_638] : memref<8x50x128xf32, #tpu.memory_space<vmem>> -> memref<1x50x128xf32, #tpu.memory_space<vmem>>
      %dma_wait3A_640 = tpu.memref_squeeze %dma_wait3A_639 : memref<1x50x128xf32, #tpu.memory_space<vmem>> -> memref<50x128xf32, #tpu.memory_space<vmem>>
      %dma_wait3A_641 = arith.constant 0 : i32
      %dma_wait3A_642 = tpu.memref_slice %arg5[%sub3A_634, %dma_wait3A_641] : memref<128x50xi32, #tpu.memory_space<vmem>> -> memref<1x50xi32, #tpu.memory_space<vmem>>
      %dma_wait3A_643 = tpu.memref_squeeze %dma_wait3A_642 : memref<1x50xi32, #tpu.memory_space<vmem>> -> memref<50xi32, #tpu.memory_space<vmem>>
      %dma_wait3A_644 = arith.constant 0 : i32
      %dma_wait3A_645 = arith.constant 0 : i32
      %dma_wait3A_646 = tpu.memref_slice %arg2[%dma_wait3A_644, %dma_wait3A_645] : memref<100000x128xf32, #tpu.memory_space<hbm>> -> memref<100000x128xf32, #tpu.memory_space<hbm>>
      %dma_wait3A_647 = tpu.memref_slice %arg7[%dma_wait3A_636] : memref<8x!tpu.dma_semaphore, #tpu.memory_space<semaphore_mem>> -> memref<1x!tpu.dma_semaphore, #tpu.memory_space<semaphore_mem>>
      %dma_wait3A_648 = tpu.memref_squeeze %dma_wait3A_647 : memref<1x!tpu.dma_semaphore, #tpu.memory_space<semaphore_mem>> -> memref<!tpu.dma_semaphore, #tpu.memory_space<semaphore_mem>>
      tpu.wait_indirect_dma semaphore(%dma_wait3A_648 : memref<!tpu.dma_semaphore, #tpu.memory_space<semaphore_mem>>) src(%dma_wait3A_646 : memref<100000x128xf32, #tpu.memory_space<hbm>>) dst(%dma_wait3A_640 : memref<50x128xf32, #tpu.memory_space<vmem>>)
      %sub3A_649 = arith.constant 6 : i32
      %sub3A_650 = arith.subi %add3A_598, %sub3A_649 : i32
      %add3A_651 = arith.addi %mul3A_2, %sub3A_650 : i32
      %dma_start3A_652 = arith.constant 2 : i32
      %dma_start3A_653 = arith.constant 2 : i32
      %dma_start3A_654 = arith.constant 0 : i32
      %dma_start3A_655 = arith.constant 0 : i32
      %dma_start3A_656 = tpu.memref_slice %arg6[%dma_start3A_652, %dma_start3A_654, %dma_start3A_655] : memref<8x50x128xf32, #tpu.memory_space<vmem>> -> memref<1x50x128xf32, #tpu.memory_space<vmem>>
      %dma_start3A_657 = tpu.memref_squeeze %dma_start3A_656 : memref<1x50x128xf32, #tpu.memory_space<vmem>> -> memref<50x128xf32, #tpu.memory_space<vmem>>
      %dma_start3A_658 = arith.constant 0 : i32
      %dma_start3A_659 = arith.constant 0 : i32
      %dma_start3A_660 = tpu.memref_slice %arg4[%add3A_651, %dma_start3A_658, %dma_start3A_659] : memref<4096x50x128xf32, #tpu.memory_space<hbm>> -> memref<1x50x128xf32, #tpu.memory_space<hbm>>
      %dma_start3A_661 = tpu.memref_squeeze %dma_start3A_660 : memref<1x50x128xf32, #tpu.memory_space<hbm>> -> memref<50x128xf32, #tpu.memory_space<hbm>>
      %dma_start3A_662 = tpu.memref_slice %arg8[%dma_start3A_653] : memref<8x!tpu.dma_semaphore, #tpu.memory_space<semaphore_mem>> -> memref<1x!tpu.dma_semaphore, #tpu.memory_space<semaphore_mem>>
      %dma_start3A_663 = tpu.memref_squeeze %dma_start3A_662 : memref<1x!tpu.dma_semaphore, #tpu.memory_space<semaphore_mem>> -> memref<!tpu.dma_semaphore, #tpu.memory_space<semaphore_mem>>
      %dma_start3A_664 = arith.constant 0 : i32
      %dma_start3A_665 = arith.constant 0 : i32
      %dma_start3A_666 = tpu.memref_slice %arg4[%add3A_651, %dma_start3A_664, %dma_start3A_665] : memref<4096x50x128xf32, #tpu.memory_space<hbm>> -> memref<1x50x128xf32, #tpu.memory_space<hbm>>
      %dma_start3A_667 = tpu.memref_squeeze %dma_start3A_666 : memref<1x50x128xf32, #tpu.memory_space<hbm>> -> memref<50x128xf32, #tpu.memory_space<hbm>>
      %dma_start3A_668 = arith.constant 0 : i32
      %dma_start3A_669 = arith.constant 0 : i32
      %dma_start3A_670 = tpu.memref_slice %arg6[%dma_start3A_652, %dma_start3A_668, %dma_start3A_669] : memref<8x50x128xf32, #tpu.memory_space<vmem>> -> memref<1x50x128xf32, #tpu.memory_space<vmem>>
      %dma_start3A_671 = tpu.memref_squeeze %dma_start3A_670 : memref<1x50x128xf32, #tpu.memory_space<vmem>> -> memref<50x128xf32, #tpu.memory_space<vmem>>
      tpu.enqueue_dma source(%dma_start3A_671 : memref<50x128xf32, #tpu.memory_space<vmem>>) target(%dma_start3A_667 : memref<50x128xf32, #tpu.memory_space<hbm>>) target_semaphore(%dma_start3A_663 : memref<!tpu.dma_semaphore, #tpu.memory_space<semaphore_mem>>)
      %add3A_672 = arith.constant 1 : i32
      %add3A_673 = arith.addi %add3A_596, %add3A_672 : i32
      %dma_wait3A_674 = arith.constant 1 : i32
      %dma_wait3A_675 = arith.constant 0 : i32
      %dma_wait3A_676 = arith.constant 1 : i32
      %dma_wait3A_677 = arith.constant 0 : i32
      %dma_wait3A_678 = arith.constant 0 : i32
      %dma_wait3A_679 = tpu.memref_slice %arg6[%dma_wait3A_674, %dma_wait3A_677, %dma_wait3A_678] : memref<8x50x128xf32, #tpu.memory_space<vmem>> -> memref<1x50x128xf32, #tpu.memory_space<vmem>>
      %dma_wait3A_680 = tpu.memref_squeeze %dma_wait3A_679 : memref<1x50x128xf32, #tpu.memory_space<vmem>> -> memref<50x128xf32, #tpu.memory_space<vmem>>
      %dma_wait3A_681 = arith.constant 0 : i32
      %dma_wait3A_682 = arith.constant 0 : i32
      %dma_wait3A_683 = tpu.memref_slice %arg4[%dma_wait3A_675, %dma_wait3A_681, %dma_wait3A_682] : memref<4096x50x128xf32, #tpu.memory_space<hbm>> -> memref<1x50x128xf32, #tpu.memory_space<hbm>>
      %dma_wait3A_684 = tpu.memref_squeeze %dma_wait3A_683 : memref<1x50x128xf32, #tpu.memory_space<hbm>> -> memref<50x128xf32, #tpu.memory_space<hbm>>
      %dma_wait3A_685 = tpu.memref_slice %arg8[%dma_wait3A_676] : memref<8x!tpu.dma_semaphore, #tpu.memory_space<semaphore_mem>> -> memref<1x!tpu.dma_semaphore, #tpu.memory_space<semaphore_mem>>
      %dma_wait3A_686 = tpu.memref_squeeze %dma_wait3A_685 : memref<1x!tpu.dma_semaphore, #tpu.memory_space<semaphore_mem>> -> memref<!tpu.dma_semaphore, #tpu.memory_space<semaphore_mem>>
      %dma_wait3A_687 = arith.constant 0 : i32
      %dma_wait3A_688 = arith.constant 0 : i32
      %dma_wait3A_689 = tpu.memref_slice %arg4[%dma_wait3A_675, %dma_wait3A_687, %dma_wait3A_688] : memref<4096x50x128xf32, #tpu.memory_space<hbm>> -> memref<1x50x128xf32, #tpu.memory_space<hbm>>
      %dma_wait3A_690 = tpu.memref_squeeze %dma_wait3A_689 : memref<1x50x128xf32, #tpu.memory_space<hbm>> -> memref<50x128xf32, #tpu.memory_space<hbm>>
      %dma_wait3A_691 = arith.constant 0 : i32
      %dma_wait3A_692 = arith.constant 0 : i32
      %dma_wait3A_693 = tpu.memref_slice %arg6[%dma_wait3A_674, %dma_wait3A_691, %dma_wait3A_692] : memref<8x50x128xf32, #tpu.memory_space<vmem>> -> memref<1x50x128xf32, #tpu.memory_space<vmem>>
      %dma_wait3A_694 = tpu.memref_squeeze %dma_wait3A_693 : memref<1x50x128xf32, #tpu.memory_space<vmem>> -> memref<50x128xf32, #tpu.memory_space<vmem>>
      tpu.wait_dma2 semaphore(%dma_wait3A_686 : memref<!tpu.dma_semaphore, #tpu.memory_space<semaphore_mem>>) src(%dma_wait3A_694 : memref<50x128xf32, #tpu.memory_space<vmem>>) dst(%dma_wait3A_690 : memref<50x128xf32, #tpu.memory_space<hbm>>)
      %dma_start3A_695 = arith.constant 1 : i32
      %dma_start3A_696 = arith.constant 1 : i32
      %dma_start3A_697 = arith.constant 0 : i32
      %dma_start3A_698 = arith.constant 0 : i32
      %dma_start3A_699 = tpu.memref_slice %arg6[%dma_start3A_695, %dma_start3A_697, %dma_start3A_698] : memref<8x50x128xf32, #tpu.memory_space<vmem>> -> memref<1x50x128xf32, #tpu.memory_space<vmem>>
      %dma_start3A_700 = tpu.memref_squeeze %dma_start3A_699 : memref<1x50x128xf32, #tpu.memory_space<vmem>> -> memref<50x128xf32, #tpu.memory_space<vmem>>
      %dma_start3A_701 = arith.constant 0 : i32
      %dma_start3A_702 = tpu.memref_slice %arg5[%add3A_673, %dma_start3A_701] : memref<128x50xi32, #tpu.memory_space<vmem>> -> memref<1x50xi32, #tpu.memory_space<vmem>>
      %dma_start3A_703 = tpu.memref_squeeze %dma_start3A_702 : memref<1x50xi32, #tpu.memory_space<vmem>> -> memref<50xi32, #tpu.memory_space<vmem>>
      %dma_start3A_704 = arith.constant 0 : i32
      %dma_start3A_705 = arith.constant 0 : i32
      %dma_start3A_706 = tpu.memref_slice %arg2[%dma_start3A_704, %dma_start3A_705] : memref<100000x128xf32, #tpu.memory_space<hbm>> -> memref<100000x128xf32, #tpu.memory_space<hbm>>
      %dma_start3A_707 = tpu.memref_slice %arg7[%dma_start3A_696] : memref<8x!tpu.dma_semaphore, #tpu.memory_space<semaphore_mem>> -> memref<1x!tpu.dma_semaphore, #tpu.memory_space<semaphore_mem>>
      %dma_start3A_708 = tpu.memref_squeeze %dma_start3A_707 : memref<1x!tpu.dma_semaphore, #tpu.memory_space<semaphore_mem>> -> memref<!tpu.dma_semaphore, #tpu.memory_space<semaphore_mem>>
      tpu.enqueue_indirect_dma source(%dma_start3A_706 : memref<100000x128xf32, #tpu.memory_space<hbm>>) target(%dma_start3A_700 : memref<50x128xf32, #tpu.memory_space<vmem>>) offsets(%dma_start3A_703 : memref<50xi32, #tpu.memory_space<vmem>>) semaphore(%dma_start3A_708 : memref<!tpu.dma_semaphore, #tpu.memory_space<semaphore_mem>>)
      %sub3A_709 = arith.constant 6 : i32
      %sub3A_710 = arith.subi %add3A_673, %sub3A_709 : i32
      %dma_wait3A_711 = arith.constant 3 : i32
      %dma_wait3A_712 = arith.constant 3 : i32
      %dma_wait3A_713 = arith.constant 0 : i32
      %dma_wait3A_714 = arith.constant 0 : i32
      %dma_wait3A_715 = tpu.memref_slice %arg6[%dma_wait3A_711, %dma_wait3A_713, %dma_wait3A_714] : memref<8x50x128xf32, #tpu.memory_space<vmem>> -> memref<1x50x128xf32, #tpu.memory_space<vmem>>
      %dma_wait3A_716 = tpu.memref_squeeze %dma_wait3A_715 : memref<1x50x128xf32, #tpu.memory_space<vmem>> -> memref<50x128xf32, #tpu.memory_space<vmem>>
      %dma_wait3A_717 = arith.constant 0 : i32
      %dma_wait3A_718 = tpu.memref_slice %arg5[%sub3A_710, %dma_wait3A_717] : memref<128x50xi32, #tpu.memory_space<vmem>> -> memref<1x50xi32, #tpu.memory_space<vmem>>
      %dma_wait3A_719 = tpu.memref_squeeze %dma_wait3A_718 : memref<1x50xi32, #tpu.memory_space<vmem>> -> memref<50xi32, #tpu.memory_space<vmem>>
      %dma_wait3A_720 = arith.constant 0 : i32
      %dma_wait3A_721 = arith.constant 0 : i32
      %dma_wait3A_722 = tpu.memref_slice %arg2[%dma_wait3A_720, %dma_wait3A_721] : memref<100000x128xf32, #tpu.memory_space<hbm>> -> memref<100000x128xf32, #tpu.memory_space<hbm>>
      %dma_wait3A_723 = tpu.memref_slice %arg7[%dma_wait3A_712] : memref<8x!tpu.dma_semaphore, #tpu.memory_space<semaphore_mem>> -> memref<1x!tpu.dma_semaphore, #tpu.memory_space<semaphore_mem>>
      %dma_wait3A_724 = tpu.memref_squeeze %dma_wait3A_723 : memref<1x!tpu.dma_semaphore, #tpu.memory_space<semaphore_mem>> -> memref<!tpu.dma_semaphore, #tpu.memory_space<semaphore_mem>>
      tpu.wait_indirect_dma semaphore(%dma_wait3A_724 : memref<!tpu.dma_semaphore, #tpu.memory_space<semaphore_mem>>) src(%dma_wait3A_722 : memref<100000x128xf32, #tpu.memory_space<hbm>>) dst(%dma_wait3A_716 : memref<50x128xf32, #tpu.memory_space<vmem>>)
      %sub3A_725 = arith.constant 6 : i32
      %sub3A_726 = arith.subi %add3A_673, %sub3A_725 : i32
      %add3A_727 = arith.addi %mul3A_2, %sub3A_726 : i32
      %dma_start3A_728 = arith.constant 3 : i32
      %dma_start3A_729 = arith.constant 3 : i32
      %dma_start3A_730 = arith.constant 0 : i32
      %dma_start3A_731 = arith.constant 0 : i32
      %dma_start3A_732 = tpu.memref_slice %arg6[%dma_start3A_728, %dma_start3A_730, %dma_start3A_731] : memref<8x50x128xf32, #tpu.memory_space<vmem>> -> memref<1x50x128xf32, #tpu.memory_space<vmem>>
      %dma_start3A_733 = tpu.memref_squeeze %dma_start3A_732 : memref<1x50x128xf32, #tpu.memory_space<vmem>> -> memref<50x128xf32, #tpu.memory_space<vmem>>
      %dma_start3A_734 = arith.constant 0 : i32
      %dma_start3A_735 = arith.constant 0 : i32
      %dma_start3A_736 = tpu.memref_slice %arg4[%add3A_727, %dma_start3A_734, %dma_start3A_735] : memref<4096x50x128xf32, #tpu.memory_space<hbm>> -> memref<1x50x128xf32, #tpu.memory_space<hbm>>
      %dma_start3A_737 = tpu.memref_squeeze %dma_start3A_736 : memref<1x50x128xf32, #tpu.memory_space<hbm>> -> memref<50x128xf32, #tpu.memory_space<hbm>>
      %dma_start3A_738 = tpu.memref_slice %arg8[%dma_start3A_729] : memref<8x!tpu.dma_semaphore, #tpu.memory_space<semaphore_mem>> -> memref<1x!tpu.dma_semaphore, #tpu.memory_space<semaphore_mem>>
      %dma_start3A_739 = tpu.memref_squeeze %dma_start3A_738 : memref<1x!tpu.dma_semaphore, #tpu.memory_space<semaphore_mem>> -> memref<!tpu.dma_semaphore, #tpu.memory_space<semaphore_mem>>
      %dma_start3A_740 = arith.constant 0 : i32
      %dma_start3A_741 = arith.constant 0 : i32
      %dma_start3A_742 = tpu.memref_slice %arg4[%add3A_727, %dma_start3A_740, %dma_start3A_741] : memref<4096x50x128xf32, #tpu.memory_space<hbm>> -> memref<1x50x128xf32, #tpu.memory_space<hbm>>
      %dma_start3A_743 = tpu.memref_squeeze %dma_start3A_742 : memref<1x50x128xf32, #tpu.memory_space<hbm>> -> memref<50x128xf32, #tpu.memory_space<hbm>>
      %dma_start3A_744 = arith.constant 0 : i32
      %dma_start3A_745 = arith.constant 0 : i32
      %dma_start3A_746 = tpu.memref_slice %arg6[%dma_start3A_728, %dma_start3A_744, %dma_start3A_745] : memref<8x50x128xf32, #tpu.memory_space<vmem>> -> memref<1x50x128xf32, #tpu.memory_space<vmem>>
      %dma_start3A_747 = tpu.memref_squeeze %dma_start3A_746 : memref<1x50x128xf32, #tpu.memory_space<vmem>> -> memref<50x128xf32, #tpu.memory_space<vmem>>
      tpu.enqueue_dma source(%dma_start3A_747 : memref<50x128xf32, #tpu.memory_space<vmem>>) target(%dma_start3A_743 : memref<50x128xf32, #tpu.memory_space<hbm>>) target_semaphore(%dma_start3A_739 : memref<!tpu.dma_semaphore, #tpu.memory_space<semaphore_mem>>)
      %add3A_748 = arith.constant 2 : i32
      %add3A_749 = arith.addi %add3A_596, %add3A_748 : i32
      %dma_wait3A_750 = arith.constant 2 : i32
      %dma_wait3A_751 = arith.constant 0 : i32
      %dma_wait3A_752 = arith.constant 2 : i32
      %dma_wait3A_753 = arith.constant 0 : i32
      %dma_wait3A_754 = arith.constant 0 : i32
      %dma_wait3A_755 = tpu.memref_slice %arg6[%dma_wait3A_750, %dma_wait3A_753, %dma_wait3A_754] : memref<8x50x128xf32, #tpu.memory_space<vmem>> -> memref<1x50x128xf32, #tpu.memory_space<vmem>>
      %dma_wait3A_756 = tpu.memref_squeeze %dma_wait3A_755 : memref<1x50x128xf32, #tpu.memory_space<vmem>> -> memref<50x128xf32, #tpu.memory_space<vmem>>
      %dma_wait3A_757 = arith.constant 0 : i32
      %dma_wait3A_758 = arith.constant 0 : i32
      %dma_wait3A_759 = tpu.memref_slice %arg4[%dma_wait3A_751, %dma_wait3A_757, %dma_wait3A_758] : memref<4096x50x128xf32, #tpu.memory_space<hbm>> -> memref<1x50x128xf32, #tpu.memory_space<hbm>>
      %dma_wait3A_760 = tpu.memref_squeeze %dma_wait3A_759 : memref<1x50x128xf32, #tpu.memory_space<hbm>> -> memref<50x128xf32, #tpu.memory_space<hbm>>
      %dma_wait3A_761 = tpu.memref_slice %arg8[%dma_wait3A_752] : memref<8x!tpu.dma_semaphore, #tpu.memory_space<semaphore_mem>> -> memref<1x!tpu.dma_semaphore, #tpu.memory_space<semaphore_mem>>
      %dma_wait3A_762 = tpu.memref_squeeze %dma_wait3A_761 : memref<1x!tpu.dma_semaphore, #tpu.memory_space<semaphore_mem>> -> memref<!tpu.dma_semaphore, #tpu.memory_space<semaphore_mem>>
      %dma_wait3A_763 = arith.constant 0 : i32
      %dma_wait3A_764 = arith.constant 0 : i32
      %dma_wait3A_765 = tpu.memref_slice %arg4[%dma_wait3A_751, %dma_wait3A_763, %dma_wait3A_764] : memref<4096x50x128xf32, #tpu.memory_space<hbm>> -> memref<1x50x128xf32, #tpu.memory_space<hbm>>
      %dma_wait3A_766 = tpu.memref_squeeze %dma_wait3A_765 : memref<1x50x128xf32, #tpu.memory_space<hbm>> -> memref<50x128xf32, #tpu.memory_space<hbm>>
      %dma_wait3A_767 = arith.constant 0 : i32
      %dma_wait3A_768 = arith.constant 0 : i32
      %dma_wait3A_769 = tpu.memref_slice %arg6[%dma_wait3A_750, %dma_wait3A_767, %dma_wait3A_768] : memref<8x50x128xf32, #tpu.memory_space<vmem>> -> memref<1x50x128xf32, #tpu.memory_space<vmem>>
      %dma_wait3A_770 = tpu.memref_squeeze %dma_wait3A_769 : memref<1x50x128xf32, #tpu.memory_space<vmem>> -> memref<50x128xf32, #tpu.memory_space<vmem>>
      tpu.wait_dma2 semaphore(%dma_wait3A_762 : memref<!tpu.dma_semaphore, #tpu.memory_space<semaphore_mem>>) src(%dma_wait3A_770 : memref<50x128xf32, #tpu.memory_space<vmem>>) dst(%dma_wait3A_766 : memref<50x128xf32, #tpu.memory_space<hbm>>)
      %dma_start3A_771 = arith.constant 2 : i32
      %dma_start3A_772 = arith.constant 2 : i32
      %dma_start3A_773 = arith.constant 0 : i32
      %dma_start3A_774 = arith.constant 0 : i32
      %dma_start3A_775 = tpu.memref_slice %arg6[%dma_start3A_771, %dma_start3A_773, %dma_start3A_774] : memref<8x50x128xf32, #tpu.memory_space<vmem>> -> memref<1x50x128xf32, #tpu.memory_space<vmem>>
      %dma_start3A_776 = tpu.memref_squeeze %dma_start3A_775 : memref<1x50x128xf32, #tpu.memory_space<vmem>> -> memref<50x128xf32, #tpu.memory_space<vmem>>
      %dma_start3A_777 = arith.constant 0 : i32
      %dma_start3A_778 = tpu.memref_slice %arg5[%add3A_749, %dma_start3A_777] : memref<128x50xi32, #tpu.memory_space<vmem>> -> memref<1x50xi32, #tpu.memory_space<vmem>>
      %dma_start3A_779 = tpu.memref_squeeze %dma_start3A_778 : memref<1x50xi32, #tpu.memory_space<vmem>> -> memref<50xi32, #tpu.memory_space<vmem>>
      %dma_start3A_780 = arith.constant 0 : i32
      %dma_start3A_781 = arith.constant 0 : i32
      %dma_start3A_782 = tpu.memref_slice %arg2[%dma_start3A_780, %dma_start3A_781] : memref<100000x128xf32, #tpu.memory_space<hbm>> -> memref<100000x128xf32, #tpu.memory_space<hbm>>
      %dma_start3A_783 = tpu.memref_slice %arg7[%dma_start3A_772] : memref<8x!tpu.dma_semaphore, #tpu.memory_space<semaphore_mem>> -> memref<1x!tpu.dma_semaphore, #tpu.memory_space<semaphore_mem>>
      %dma_start3A_784 = tpu.memref_squeeze %dma_start3A_783 : memref<1x!tpu.dma_semaphore, #tpu.memory_space<semaphore_mem>> -> memref<!tpu.dma_semaphore, #tpu.memory_space<semaphore_mem>>
      tpu.enqueue_indirect_dma source(%dma_start3A_782 : memref<100000x128xf32, #tpu.memory_space<hbm>>) target(%dma_start3A_776 : memref<50x128xf32, #tpu.memory_space<vmem>>) offsets(%dma_start3A_779 : memref<50xi32, #tpu.memory_space<vmem>>) semaphore(%dma_start3A_784 : memref<!tpu.dma_semaphore, #tpu.memory_space<semaphore_mem>>)
      %sub3A_785 = arith.constant 6 : i32
      %sub3A_786 = arith.subi %add3A_749, %sub3A_785 : i32
      %dma_wait3A_787 = arith.constant 4 : i32
      %dma_wait3A_788 = arith.constant 4 : i32
      %dma_wait3A_789 = arith.constant 0 : i32
      %dma_wait3A_790 = arith.constant 0 : i32
      %dma_wait3A_791 = tpu.memref_slice %arg6[%dma_wait3A_787, %dma_wait3A_789, %dma_wait3A_790] : memref<8x50x128xf32, #tpu.memory_space<vmem>> -> memref<1x50x128xf32, #tpu.memory_space<vmem>>
      %dma_wait3A_792 = tpu.memref_squeeze %dma_wait3A_791 : memref<1x50x128xf32, #tpu.memory_space<vmem>> -> memref<50x128xf32, #tpu.memory_space<vmem>>
      %dma_wait3A_793 = arith.constant 0 : i32
      %dma_wait3A_794 = tpu.memref_slice %arg5[%sub3A_786, %dma_wait3A_793] : memref<128x50xi32, #tpu.memory_space<vmem>> -> memref<1x50xi32, #tpu.memory_space<vmem>>
      %dma_wait3A_795 = tpu.memref_squeeze %dma_wait3A_794 : memref<1x50xi32, #tpu.memory_space<vmem>> -> memref<50xi32, #tpu.memory_space<vmem>>
      %dma_wait3A_796 = arith.constant 0 : i32
      %dma_wait3A_797 = arith.constant 0 : i32
      %dma_wait3A_798 = tpu.memref_slice %arg2[%dma_wait3A_796, %dma_wait3A_797] : memref<100000x128xf32, #tpu.memory_space<hbm>> -> memref<100000x128xf32, #tpu.memory_space<hbm>>
      %dma_wait3A_799 = tpu.memref_slice %arg7[%dma_wait3A_788] : memref<8x!tpu.dma_semaphore, #tpu.memory_space<semaphore_mem>> -> memref<1x!tpu.dma_semaphore, #tpu.memory_space<semaphore_mem>>
      %dma_wait3A_800 = tpu.memref_squeeze %dma_wait3A_799 : memref<1x!tpu.dma_semaphore, #tpu.memory_space<semaphore_mem>> -> memref<!tpu.dma_semaphore, #tpu.memory_space<semaphore_mem>>
      tpu.wait_indirect_dma semaphore(%dma_wait3A_800 : memref<!tpu.dma_semaphore, #tpu.memory_space<semaphore_mem>>) src(%dma_wait3A_798 : memref<100000x128xf32, #tpu.memory_space<hbm>>) dst(%dma_wait3A_792 : memref<50x128xf32, #tpu.memory_space<vmem>>)
      %sub3A_801 = arith.constant 6 : i32
      %sub3A_802 = arith.subi %add3A_749, %sub3A_801 : i32
      %add3A_803 = arith.addi %mul3A_2, %sub3A_802 : i32
      %dma_start3A_804 = arith.constant 4 : i32
      %dma_start3A_805 = arith.constant 4 : i32
      %dma_start3A_806 = arith.constant 0 : i32
      %dma_start3A_807 = arith.constant 0 : i32
      %dma_start3A_808 = tpu.memref_slice %arg6[%dma_start3A_804, %dma_start3A_806, %dma_start3A_807] : memref<8x50x128xf32, #tpu.memory_space<vmem>> -> memref<1x50x128xf32, #tpu.memory_space<vmem>>
      %dma_start3A_809 = tpu.memref_squeeze %dma_start3A_808 : memref<1x50x128xf32, #tpu.memory_space<vmem>> -> memref<50x128xf32, #tpu.memory_space<vmem>>
      %dma_start3A_810 = arith.constant 0 : i32
      %dma_start3A_811 = arith.constant 0 : i32
      %dma_start3A_812 = tpu.memref_slice %arg4[%add3A_803, %dma_start3A_810, %dma_start3A_811] : memref<4096x50x128xf32, #tpu.memory_space<hbm>> -> memref<1x50x128xf32, #tpu.memory_space<hbm>>
      %dma_start3A_813 = tpu.memref_squeeze %dma_start3A_812 : memref<1x50x128xf32, #tpu.memory_space<hbm>> -> memref<50x128xf32, #tpu.memory_space<hbm>>
      %dma_start3A_814 = tpu.memref_slice %arg8[%dma_start3A_805] : memref<8x!tpu.dma_semaphore, #tpu.memory_space<semaphore_mem>> -> memref<1x!tpu.dma_semaphore, #tpu.memory_space<semaphore_mem>>
      %dma_start3A_815 = tpu.memref_squeeze %dma_start3A_814 : memref<1x!tpu.dma_semaphore, #tpu.memory_space<semaphore_mem>> -> memref<!tpu.dma_semaphore, #tpu.memory_space<semaphore_mem>>
      %dma_start3A_816 = arith.constant 0 : i32
      %dma_start3A_817 = arith.constant 0 : i32
      %dma_start3A_818 = tpu.memref_slice %arg4[%add3A_803, %dma_start3A_816, %dma_start3A_817] : memref<4096x50x128xf32, #tpu.memory_space<hbm>> -> memref<1x50x128xf32, #tpu.memory_space<hbm>>
      %dma_start3A_819 = tpu.memref_squeeze %dma_start3A_818 : memref<1x50x128xf32, #tpu.memory_space<hbm>> -> memref<50x128xf32, #tpu.memory_space<hbm>>
      %dma_start3A_820 = arith.constant 0 : i32
      %dma_start3A_821 = arith.constant 0 : i32
      %dma_start3A_822 = tpu.memref_slice %arg6[%dma_start3A_804, %dma_start3A_820, %dma_start3A_821] : memref<8x50x128xf32, #tpu.memory_space<vmem>> -> memref<1x50x128xf32, #tpu.memory_space<vmem>>
      %dma_start3A_823 = tpu.memref_squeeze %dma_start3A_822 : memref<1x50x128xf32, #tpu.memory_space<vmem>> -> memref<50x128xf32, #tpu.memory_space<vmem>>
      tpu.enqueue_dma source(%dma_start3A_823 : memref<50x128xf32, #tpu.memory_space<vmem>>) target(%dma_start3A_819 : memref<50x128xf32, #tpu.memory_space<hbm>>) target_semaphore(%dma_start3A_815 : memref<!tpu.dma_semaphore, #tpu.memory_space<semaphore_mem>>)
      %add3A_824 = arith.constant 3 : i32
      %add3A_825 = arith.addi %add3A_596, %add3A_824 : i32
      %dma_wait3A_826 = arith.constant 3 : i32
      %dma_wait3A_827 = arith.constant 0 : i32
      %dma_wait3A_828 = arith.constant 3 : i32
      %dma_wait3A_829 = arith.constant 0 : i32
      %dma_wait3A_830 = arith.constant 0 : i32
      %dma_wait3A_831 = tpu.memref_slice %arg6[%dma_wait3A_826, %dma_wait3A_829, %dma_wait3A_830] : memref<8x50x128xf32, #tpu.memory_space<vmem>> -> memref<1x50x128xf32, #tpu.memory_space<vmem>>
      %dma_wait3A_832 = tpu.memref_squeeze %dma_wait3A_831 : memref<1x50x128xf32, #tpu.memory_space<vmem>> -> memref<50x128xf32, #tpu.memory_space<vmem>>
      %dma_wait3A_833 = arith.constant 0 : i32
      %dma_wait3A_834 = arith.constant 0 : i32
      %dma_wait3A_835 = tpu.memref_slice %arg4[%dma_wait3A_827, %dma_wait3A_833, %dma_wait3A_834] : memref<4096x50x128xf32, #tpu.memory_space<hbm>> -> memref<1x50x128xf32, #tpu.memory_space<hbm>>
      %dma_wait3A_836 = tpu.memref_squeeze %dma_wait3A_835 : memref<1x50x128xf32, #tpu.memory_space<hbm>> -> memref<50x128xf32, #tpu.memory_space<hbm>>
      %dma_wait3A_837 = tpu.memref_slice %arg8[%dma_wait3A_828] : memref<8x!tpu.dma_semaphore, #tpu.memory_space<semaphore_mem>> -> memref<1x!tpu.dma_semaphore, #tpu.memory_space<semaphore_mem>>
      %dma_wait3A_838 = tpu.memref_squeeze %dma_wait3A_837 : memref<1x!tpu.dma_semaphore, #tpu.memory_space<semaphore_mem>> -> memref<!tpu.dma_semaphore, #tpu.memory_space<semaphore_mem>>
      %dma_wait3A_839 = arith.constant 0 : i32
      %dma_wait3A_840 = arith.constant 0 : i32
      %dma_wait3A_841 = tpu.memref_slice %arg4[%dma_wait3A_827, %dma_wait3A_839, %dma_wait3A_840] : memref<4096x50x128xf32, #tpu.memory_space<hbm>> -> memref<1x50x128xf32, #tpu.memory_space<hbm>>
      %dma_wait3A_842 = tpu.memref_squeeze %dma_wait3A_841 : memref<1x50x128xf32, #tpu.memory_space<hbm>> -> memref<50x128xf32, #tpu.memory_space<hbm>>
      %dma_wait3A_843 = arith.constant 0 : i32
      %dma_wait3A_844 = arith.constant 0 : i32
      %dma_wait3A_845 = tpu.memref_slice %arg6[%dma_wait3A_826, %dma_wait3A_843, %dma_wait3A_844] : memref<8x50x128xf32, #tpu.memory_space<vmem>> -> memref<1x50x128xf32, #tpu.memory_space<vmem>>
      %dma_wait3A_846 = tpu.memref_squeeze %dma_wait3A_845 : memref<1x50x128xf32, #tpu.memory_space<vmem>> -> memref<50x128xf32, #tpu.memory_space<vmem>>
      tpu.wait_dma2 semaphore(%dma_wait3A_838 : memref<!tpu.dma_semaphore, #tpu.memory_space<semaphore_mem>>) src(%dma_wait3A_846 : memref<50x128xf32, #tpu.memory_space<vmem>>) dst(%dma_wait3A_842 : memref<50x128xf32, #tpu.memory_space<hbm>>)
      %dma_start3A_847 = arith.constant 3 : i32
      %dma_start3A_848 = arith.constant 3 : i32
      %dma_start3A_849 = arith.constant 0 : i32
      %dma_start3A_850 = arith.constant 0 : i32
      %dma_start3A_851 = tpu.memref_slice %arg6[%dma_start3A_847, %dma_start3A_849, %dma_start3A_850] : memref<8x50x128xf32, #tpu.memory_space<vmem>> -> memref<1x50x128xf32, #tpu.memory_space<vmem>>
      %dma_start3A_852 = tpu.memref_squeeze %dma_start3A_851 : memref<1x50x128xf32, #tpu.memory_space<vmem>> -> memref<50x128xf32, #tpu.memory_space<vmem>>
      %dma_start3A_853 = arith.constant 0 : i32
      %dma_start3A_854 = tpu.memref_slice %arg5[%add3A_825, %dma_start3A_853] : memref<128x50xi32, #tpu.memory_space<vmem>> -> memref<1x50xi32, #tpu.memory_space<vmem>>
      %dma_start3A_855 = tpu.memref_squeeze %dma_start3A_854 : memref<1x50xi32, #tpu.memory_space<vmem>> -> memref<50xi32, #tpu.memory_space<vmem>>
      %dma_start3A_856 = arith.constant 0 : i32
      %dma_start3A_857 = arith.constant 0 : i32
      %dma_start3A_858 = tpu.memref_slice %arg2[%dma_start3A_856, %dma_start3A_857] : memref<100000x128xf32, #tpu.memory_space<hbm>> -> memref<100000x128xf32, #tpu.memory_space<hbm>>
      %dma_start3A_859 = tpu.memref_slice %arg7[%dma_start3A_848] : memref<8x!tpu.dma_semaphore, #tpu.memory_space<semaphore_mem>> -> memref<1x!tpu.dma_semaphore, #tpu.memory_space<semaphore_mem>>
      %dma_start3A_860 = tpu.memref_squeeze %dma_start3A_859 : memref<1x!tpu.dma_semaphore, #tpu.memory_space<semaphore_mem>> -> memref<!tpu.dma_semaphore, #tpu.memory_space<semaphore_mem>>
      tpu.enqueue_indirect_dma source(%dma_start3A_858 : memref<100000x128xf32, #tpu.memory_space<hbm>>) target(%dma_start3A_852 : memref<50x128xf32, #tpu.memory_space<vmem>>) offsets(%dma_start3A_855 : memref<50xi32, #tpu.memory_space<vmem>>) semaphore(%dma_start3A_860 : memref<!tpu.dma_semaphore, #tpu.memory_space<semaphore_mem>>)
      %sub3A_861 = arith.constant 6 : i32
      %sub3A_862 = arith.subi %add3A_825, %sub3A_861 : i32
      %dma_wait3A_863 = arith.constant 5 : i32
      %dma_wait3A_864 = arith.constant 5 : i32
      %dma_wait3A_865 = arith.constant 0 : i32
      %dma_wait3A_866 = arith.constant 0 : i32
      %dma_wait3A_867 = tpu.memref_slice %arg6[%dma_wait3A_863, %dma_wait3A_865, %dma_wait3A_866] : memref<8x50x128xf32, #tpu.memory_space<vmem>> -> memref<1x50x128xf32, #tpu.memory_space<vmem>>
      %dma_wait3A_868 = tpu.memref_squeeze %dma_wait3A_867 : memref<1x50x128xf32, #tpu.memory_space<vmem>> -> memref<50x128xf32, #tpu.memory_space<vmem>>
      %dma_wait3A_869 = arith.constant 0 : i32
      %dma_wait3A_870 = tpu.memref_slice %arg5[%sub3A_862, %dma_wait3A_869] : memref<128x50xi32, #tpu.memory_space<vmem>> -> memref<1x50xi32, #tpu.memory_space<vmem>>
      %dma_wait3A_871 = tpu.memref_squeeze %dma_wait3A_870 : memref<1x50xi32, #tpu.memory_space<vmem>> -> memref<50xi32, #tpu.memory_space<vmem>>
      %dma_wait3A_872 = arith.constant 0 : i32
      %dma_wait3A_873 = arith.constant 0 : i32
      %dma_wait3A_874 = tpu.memref_slice %arg2[%dma_wait3A_872, %dma_wait3A_873] : memref<100000x128xf32, #tpu.memory_space<hbm>> -> memref<100000x128xf32, #tpu.memory_space<hbm>>
      %dma_wait3A_875 = tpu.memref_slice %arg7[%dma_wait3A_864] : memref<8x!tpu.dma_semaphore, #tpu.memory_space<semaphore_mem>> -> memref<1x!tpu.dma_semaphore, #tpu.memory_space<semaphore_mem>>
      %dma_wait3A_876 = tpu.memref_squeeze %dma_wait3A_875 : memref<1x!tpu.dma_semaphore, #tpu.memory_space<semaphore_mem>> -> memref<!tpu.dma_semaphore, #tpu.memory_space<semaphore_mem>>
      tpu.wait_indirect_dma semaphore(%dma_wait3A_876 : memref<!tpu.dma_semaphore, #tpu.memory_space<semaphore_mem>>) src(%dma_wait3A_874 : memref<100000x128xf32, #tpu.memory_space<hbm>>) dst(%dma_wait3A_868 : memref<50x128xf32, #tpu.memory_space<vmem>>)
      %sub3A_877 = arith.constant 6 : i32
      %sub3A_878 = arith.subi %add3A_825, %sub3A_877 : i32
      %add3A_879 = arith.addi %mul3A_2, %sub3A_878 : i32
      %dma_start3A_880 = arith.constant 5 : i32
      %dma_start3A_881 = arith.constant 5 : i32
      %dma_start3A_882 = arith.constant 0 : i32
      %dma_start3A_883 = arith.constant 0 : i32
      %dma_start3A_884 = tpu.memref_slice %arg6[%dma_start3A_880, %dma_start3A_882, %dma_start3A_883] : memref<8x50x128xf32, #tpu.memory_space<vmem>> -> memref<1x50x128xf32, #tpu.memory_space<vmem>>
      %dma_start3A_885 = tpu.memref_squeeze %dma_start3A_884 : memref<1x50x128xf32, #tpu.memory_space<vmem>> -> memref<50x128xf32, #tpu.memory_space<vmem>>
      %dma_start3A_886 = arith.constant 0 : i32
      %dma_start3A_887 = arith.constant 0 : i32
      %dma_start3A_888 = tpu.memref_slice %arg4[%add3A_879, %dma_start3A_886, %dma_start3A_887] : memref<4096x50x128xf32, #tpu.memory_space<hbm>> -> memref<1x50x128xf32, #tpu.memory_space<hbm>>
      %dma_start3A_889 = tpu.memref_squeeze %dma_start3A_888 : memref<1x50x128xf32, #tpu.memory_space<hbm>> -> memref<50x128xf32, #tpu.memory_space<hbm>>
      %dma_start3A_890 = tpu.memref_slice %arg8[%dma_start3A_881] : memref<8x!tpu.dma_semaphore, #tpu.memory_space<semaphore_mem>> -> memref<1x!tpu.dma_semaphore, #tpu.memory_space<semaphore_mem>>
      %dma_start3A_891 = tpu.memref_squeeze %dma_start3A_890 : memref<1x!tpu.dma_semaphore, #tpu.memory_space<semaphore_mem>> -> memref<!tpu.dma_semaphore, #tpu.memory_space<semaphore_mem>>
      %dma_start3A_892 = arith.constant 0 : i32
      %dma_start3A_893 = arith.constant 0 : i32
      %dma_start3A_894 = tpu.memref_slice %arg4[%add3A_879, %dma_start3A_892, %dma_start3A_893] : memref<4096x50x128xf32, #tpu.memory_space<hbm>> -> memref<1x50x128xf32, #tpu.memory_space<hbm>>
      %dma_start3A_895 = tpu.memref_squeeze %dma_start3A_894 : memref<1x50x128xf32, #tpu.memory_space<hbm>> -> memref<50x128xf32, #tpu.memory_space<hbm>>
      %dma_start3A_896 = arith.constant 0 : i32
      %dma_start3A_897 = arith.constant 0 : i32
      %dma_start3A_898 = tpu.memref_slice %arg6[%dma_start3A_880, %dma_start3A_896, %dma_start3A_897] : memref<8x50x128xf32, #tpu.memory_space<vmem>> -> memref<1x50x128xf32, #tpu.memory_space<vmem>>
      %dma_start3A_899 = tpu.memref_squeeze %dma_start3A_898 : memref<1x50x128xf32, #tpu.memory_space<vmem>> -> memref<50x128xf32, #tpu.memory_space<vmem>>
      tpu.enqueue_dma source(%dma_start3A_899 : memref<50x128xf32, #tpu.memory_space<vmem>>) target(%dma_start3A_895 : memref<50x128xf32, #tpu.memory_space<hbm>>) target_semaphore(%dma_start3A_891 : memref<!tpu.dma_semaphore, #tpu.memory_space<semaphore_mem>>)
      %add3A_900 = arith.constant 4 : i32
      %add3A_901 = arith.addi %add3A_596, %add3A_900 : i32
      %dma_wait3A_902 = arith.constant 4 : i32
      %dma_wait3A_903 = arith.constant 0 : i32
      %dma_wait3A_904 = arith.constant 4 : i32
      %dma_wait3A_905 = arith.constant 0 : i32
      %dma_wait3A_906 = arith.constant 0 : i32
      %dma_wait3A_907 = tpu.memref_slice %arg6[%dma_wait3A_902, %dma_wait3A_905, %dma_wait3A_906] : memref<8x50x128xf32, #tpu.memory_space<vmem>> -> memref<1x50x128xf32, #tpu.memory_space<vmem>>
      %dma_wait3A_908 = tpu.memref_squeeze %dma_wait3A_907 : memref<1x50x128xf32, #tpu.memory_space<vmem>> -> memref<50x128xf32, #tpu.memory_space<vmem>>
      %dma_wait3A_909 = arith.constant 0 : i32
      %dma_wait3A_910 = arith.constant 0 : i32
      %dma_wait3A_911 = tpu.memref_slice %arg4[%dma_wait3A_903, %dma_wait3A_909, %dma_wait3A_910] : memref<4096x50x128xf32, #tpu.memory_space<hbm>> -> memref<1x50x128xf32, #tpu.memory_space<hbm>>
      %dma_wait3A_912 = tpu.memref_squeeze %dma_wait3A_911 : memref<1x50x128xf32, #tpu.memory_space<hbm>> -> memref<50x128xf32, #tpu.memory_space<hbm>>
      %dma_wait3A_913 = tpu.memref_slice %arg8[%dma_wait3A_904] : memref<8x!tpu.dma_semaphore, #tpu.memory_space<semaphore_mem>> -> memref<1x!tpu.dma_semaphore, #tpu.memory_space<semaphore_mem>>
      %dma_wait3A_914 = tpu.memref_squeeze %dma_wait3A_913 : memref<1x!tpu.dma_semaphore, #tpu.memory_space<semaphore_mem>> -> memref<!tpu.dma_semaphore, #tpu.memory_space<semaphore_mem>>
      %dma_wait3A_915 = arith.constant 0 : i32
      %dma_wait3A_916 = arith.constant 0 : i32
      %dma_wait3A_917 = tpu.memref_slice %arg4[%dma_wait3A_903, %dma_wait3A_915, %dma_wait3A_916] : memref<4096x50x128xf32, #tpu.memory_space<hbm>> -> memref<1x50x128xf32, #tpu.memory_space<hbm>>
      %dma_wait3A_918 = tpu.memref_squeeze %dma_wait3A_917 : memref<1x50x128xf32, #tpu.memory_space<hbm>> -> memref<50x128xf32, #tpu.memory_space<hbm>>
      %dma_wait3A_919 = arith.constant 0 : i32
      %dma_wait3A_920 = arith.constant 0 : i32
      %dma_wait3A_921 = tpu.memref_slice %arg6[%dma_wait3A_902, %dma_wait3A_919, %dma_wait3A_920] : memref<8x50x128xf32, #tpu.memory_space<vmem>> -> memref<1x50x128xf32, #tpu.memory_space<vmem>>
      %dma_wait3A_922 = tpu.memref_squeeze %dma_wait3A_921 : memref<1x50x128xf32, #tpu.memory_space<vmem>> -> memref<50x128xf32, #tpu.memory_space<vmem>>
      tpu.wait_dma2 semaphore(%dma_wait3A_914 : memref<!tpu.dma_semaphore, #tpu.memory_space<semaphore_mem>>) src(%dma_wait3A_922 : memref<50x128xf32, #tpu.memory_space<vmem>>) dst(%dma_wait3A_918 : memref<50x128xf32, #tpu.memory_space<hbm>>)
      %dma_start3A_923 = arith.constant 4 : i32
      %dma_start3A_924 = arith.constant 4 : i32
      %dma_start3A_925 = arith.constant 0 : i32
      %dma_start3A_926 = arith.constant 0 : i32
      %dma_start3A_927 = tpu.memref_slice %arg6[%dma_start3A_923, %dma_start3A_925, %dma_start3A_926] : memref<8x50x128xf32, #tpu.memory_space<vmem>> -> memref<1x50x128xf32, #tpu.memory_space<vmem>>
      %dma_start3A_928 = tpu.memref_squeeze %dma_start3A_927 : memref<1x50x128xf32, #tpu.memory_space<vmem>> -> memref<50x128xf32, #tpu.memory_space<vmem>>
      %dma_start3A_929 = arith.constant 0 : i32
      %dma_start3A_930 = tpu.memref_slice %arg5[%add3A_901, %dma_start3A_929] : memref<128x50xi32, #tpu.memory_space<vmem>> -> memref<1x50xi32, #tpu.memory_space<vmem>>
      %dma_start3A_931 = tpu.memref_squeeze %dma_start3A_930 : memref<1x50xi32, #tpu.memory_space<vmem>> -> memref<50xi32, #tpu.memory_space<vmem>>
      %dma_start3A_932 = arith.constant 0 : i32
      %dma_start3A_933 = arith.constant 0 : i32
      %dma_start3A_934 = tpu.memref_slice %arg2[%dma_start3A_932, %dma_start3A_933] : memref<100000x128xf32, #tpu.memory_space<hbm>> -> memref<100000x128xf32, #tpu.memory_space<hbm>>
      %dma_start3A_935 = tpu.memref_slice %arg7[%dma_start3A_924] : memref<8x!tpu.dma_semaphore, #tpu.memory_space<semaphore_mem>> -> memref<1x!tpu.dma_semaphore, #tpu.memory_space<semaphore_mem>>
      %dma_start3A_936 = tpu.memref_squeeze %dma_start3A_935 : memref<1x!tpu.dma_semaphore, #tpu.memory_space<semaphore_mem>> -> memref<!tpu.dma_semaphore, #tpu.memory_space<semaphore_mem>>
      tpu.enqueue_indirect_dma source(%dma_start3A_934 : memref<100000x128xf32, #tpu.memory_space<hbm>>) target(%dma_start3A_928 : memref<50x128xf32, #tpu.memory_space<vmem>>) offsets(%dma_start3A_931 : memref<50xi32, #tpu.memory_space<vmem>>) semaphore(%dma_start3A_936 : memref<!tpu.dma_semaphore, #tpu.memory_space<semaphore_mem>>)
      %sub3A_937 = arith.constant 6 : i32
      %sub3A_938 = arith.subi %add3A_901, %sub3A_937 : i32
      %dma_wait3A_939 = arith.constant 6 : i32
      %dma_wait3A_940 = arith.constant 6 : i32
      %dma_wait3A_941 = arith.constant 0 : i32
      %dma_wait3A_942 = arith.constant 0 : i32
      %dma_wait3A_943 = tpu.memref_slice %arg6[%dma_wait3A_939, %dma_wait3A_941, %dma_wait3A_942] : memref<8x50x128xf32, #tpu.memory_space<vmem>> -> memref<1x50x128xf32, #tpu.memory_space<vmem>>
      %dma_wait3A_944 = tpu.memref_squeeze %dma_wait3A_943 : memref<1x50x128xf32, #tpu.memory_space<vmem>> -> memref<50x128xf32, #tpu.memory_space<vmem>>
      %dma_wait3A_945 = arith.constant 0 : i32
      %dma_wait3A_946 = tpu.memref_slice %arg5[%sub3A_938, %dma_wait3A_945] : memref<128x50xi32, #tpu.memory_space<vmem>> -> memref<1x50xi32, #tpu.memory_space<vmem>>
      %dma_wait3A_947 = tpu.memref_squeeze %dma_wait3A_946 : memref<1x50xi32, #tpu.memory_space<vmem>> -> memref<50xi32, #tpu.memory_space<vmem>>
      %dma_wait3A_948 = arith.constant 0 : i32
      %dma_wait3A_949 = arith.constant 0 : i32
      %dma_wait3A_950 = tpu.memref_slice %arg2[%dma_wait3A_948, %dma_wait3A_949] : memref<100000x128xf32, #tpu.memory_space<hbm>> -> memref<100000x128xf32, #tpu.memory_space<hbm>>
      %dma_wait3A_951 = tpu.memref_slice %arg7[%dma_wait3A_940] : memref<8x!tpu.dma_semaphore, #tpu.memory_space<semaphore_mem>> -> memref<1x!tpu.dma_semaphore, #tpu.memory_space<semaphore_mem>>
      %dma_wait3A_952 = tpu.memref_squeeze %dma_wait3A_951 : memref<1x!tpu.dma_semaphore, #tpu.memory_space<semaphore_mem>> -> memref<!tpu.dma_semaphore, #tpu.memory_space<semaphore_mem>>
      tpu.wait_indirect_dma semaphore(%dma_wait3A_952 : memref<!tpu.dma_semaphore, #tpu.memory_space<semaphore_mem>>) src(%dma_wait3A_950 : memref<100000x128xf32, #tpu.memory_space<hbm>>) dst(%dma_wait3A_944 : memref<50x128xf32, #tpu.memory_space<vmem>>)
      %sub3A_953 = arith.constant 6 : i32
      %sub3A_954 = arith.subi %add3A_901, %sub3A_953 : i32
      %add3A_955 = arith.addi %mul3A_2, %sub3A_954 : i32
      %dma_start3A_956 = arith.constant 6 : i32
      %dma_start3A_957 = arith.constant 6 : i32
      %dma_start3A_958 = arith.constant 0 : i32
      %dma_start3A_959 = arith.constant 0 : i32
      %dma_start3A_960 = tpu.memref_slice %arg6[%dma_start3A_956, %dma_start3A_958, %dma_start3A_959] : memref<8x50x128xf32, #tpu.memory_space<vmem>> -> memref<1x50x128xf32, #tpu.memory_space<vmem>>
      %dma_start3A_961 = tpu.memref_squeeze %dma_start3A_960 : memref<1x50x128xf32, #tpu.memory_space<vmem>> -> memref<50x128xf32, #tpu.memory_space<vmem>>
      %dma_start3A_962 = arith.constant 0 : i32
      %dma_start3A_963 = arith.constant 0 : i32
      %dma_start3A_964 = tpu.memref_slice %arg4[%add3A_955, %dma_start3A_962, %dma_start3A_963] : memref<4096x50x128xf32, #tpu.memory_space<hbm>> -> memref<1x50x128xf32, #tpu.memory_space<hbm>>
      %dma_start3A_965 = tpu.memref_squeeze %dma_start3A_964 : memref<1x50x128xf32, #tpu.memory_space<hbm>> -> memref<50x128xf32, #tpu.memory_space<hbm>>
      %dma_start3A_966 = tpu.memref_slice %arg8[%dma_start3A_957] : memref<8x!tpu.dma_semaphore, #tpu.memory_space<semaphore_mem>> -> memref<1x!tpu.dma_semaphore, #tpu.memory_space<semaphore_mem>>
      %dma_start3A_967 = tpu.memref_squeeze %dma_start3A_966 : memref<1x!tpu.dma_semaphore, #tpu.memory_space<semaphore_mem>> -> memref<!tpu.dma_semaphore, #tpu.memory_space<semaphore_mem>>
      %dma_start3A_968 = arith.constant 0 : i32
      %dma_start3A_969 = arith.constant 0 : i32
      %dma_start3A_970 = tpu.memref_slice %arg4[%add3A_955, %dma_start3A_968, %dma_start3A_969] : memref<4096x50x128xf32, #tpu.memory_space<hbm>> -> memref<1x50x128xf32, #tpu.memory_space<hbm>>
      %dma_start3A_971 = tpu.memref_squeeze %dma_start3A_970 : memref<1x50x128xf32, #tpu.memory_space<hbm>> -> memref<50x128xf32, #tpu.memory_space<hbm>>
      %dma_start3A_972 = arith.constant 0 : i32
      %dma_start3A_973 = arith.constant 0 : i32
      %dma_start3A_974 = tpu.memref_slice %arg6[%dma_start3A_956, %dma_start3A_972, %dma_start3A_973] : memref<8x50x128xf32, #tpu.memory_space<vmem>> -> memref<1x50x128xf32, #tpu.memory_space<vmem>>
      %dma_start3A_975 = tpu.memref_squeeze %dma_start3A_974 : memref<1x50x128xf32, #tpu.memory_space<vmem>> -> memref<50x128xf32, #tpu.memory_space<vmem>>
      tpu.enqueue_dma source(%dma_start3A_975 : memref<50x128xf32, #tpu.memory_space<vmem>>) target(%dma_start3A_971 : memref<50x128xf32, #tpu.memory_space<hbm>>) target_semaphore(%dma_start3A_967 : memref<!tpu.dma_semaphore, #tpu.memory_space<semaphore_mem>>)
      %add3A_976 = arith.constant 5 : i32
      %add3A_977 = arith.addi %add3A_596, %add3A_976 : i32
      %dma_wait3A_978 = arith.constant 5 : i32
      %dma_wait3A_979 = arith.constant 0 : i32
      %dma_wait3A_980 = arith.constant 5 : i32
      %dma_wait3A_981 = arith.constant 0 : i32
      %dma_wait3A_982 = arith.constant 0 : i32
      %dma_wait3A_983 = tpu.memref_slice %arg6[%dma_wait3A_978, %dma_wait3A_981, %dma_wait3A_982] : memref<8x50x128xf32, #tpu.memory_space<vmem>> -> memref<1x50x128xf32, #tpu.memory_space<vmem>>
      %dma_wait3A_984 = tpu.memref_squeeze %dma_wait3A_983 : memref<1x50x128xf32, #tpu.memory_space<vmem>> -> memref<50x128xf32, #tpu.memory_space<vmem>>
      %dma_wait3A_985 = arith.constant 0 : i32
      %dma_wait3A_986 = arith.constant 0 : i32
      %dma_wait3A_987 = tpu.memref_slice %arg4[%dma_wait3A_979, %dma_wait3A_985, %dma_wait3A_986] : memref<4096x50x128xf32, #tpu.memory_space<hbm>> -> memref<1x50x128xf32, #tpu.memory_space<hbm>>
      %dma_wait3A_988 = tpu.memref_squeeze %dma_wait3A_987 : memref<1x50x128xf32, #tpu.memory_space<hbm>> -> memref<50x128xf32, #tpu.memory_space<hbm>>
      %dma_wait3A_989 = tpu.memref_slice %arg8[%dma_wait3A_980] : memref<8x!tpu.dma_semaphore, #tpu.memory_space<semaphore_mem>> -> memref<1x!tpu.dma_semaphore, #tpu.memory_space<semaphore_mem>>
      %dma_wait3A_990 = tpu.memref_squeeze %dma_wait3A_989 : memref<1x!tpu.dma_semaphore, #tpu.memory_space<semaphore_mem>> -> memref<!tpu.dma_semaphore, #tpu.memory_space<semaphore_mem>>
      %dma_wait3A_991 = arith.constant 0 : i32
      %dma_wait3A_992 = arith.constant 0 : i32
      %dma_wait3A_993 = tpu.memref_slice %arg4[%dma_wait3A_979, %dma_wait3A_991, %dma_wait3A_992] : memref<4096x50x128xf32, #tpu.memory_space<hbm>> -> memref<1x50x128xf32, #tpu.memory_space<hbm>>
      %dma_wait3A_994 = tpu.memref_squeeze %dma_wait3A_993 : memref<1x50x128xf32, #tpu.memory_space<hbm>> -> memref<50x128xf32, #tpu.memory_space<hbm>>
      %dma_wait3A_995 = arith.constant 0 : i32
      %dma_wait3A_996 = arith.constant 0 : i32
      %dma_wait3A_997 = tpu.memref_slice %arg6[%dma_wait3A_978, %dma_wait3A_995, %dma_wait3A_996] : memref<8x50x128xf32, #tpu.memory_space<vmem>> -> memref<1x50x128xf32, #tpu.memory_space<vmem>>
      %dma_wait3A_998 = tpu.memref_squeeze %dma_wait3A_997 : memref<1x50x128xf32, #tpu.memory_space<vmem>> -> memref<50x128xf32, #tpu.memory_space<vmem>>
      tpu.wait_dma2 semaphore(%dma_wait3A_990 : memref<!tpu.dma_semaphore, #tpu.memory_space<semaphore_mem>>) src(%dma_wait3A_998 : memref<50x128xf32, #tpu.memory_space<vmem>>) dst(%dma_wait3A_994 : memref<50x128xf32, #tpu.memory_space<hbm>>)
      %dma_start3A_999 = arith.constant 5 : i32
      %dma_start3A_1000 = arith.constant 5 : i32
      %dma_start3A_1001 = arith.constant 0 : i32
      %dma_start3A_1002 = arith.constant 0 : i32
      %dma_start3A_1003 = tpu.memref_slice %arg6[%dma_start3A_999, %dma_start3A_1001, %dma_start3A_1002] : memref<8x50x128xf32, #tpu.memory_space<vmem>> -> memref<1x50x128xf32, #tpu.memory_space<vmem>>
      %dma_start3A_1004 = tpu.memref_squeeze %dma_start3A_1003 : memref<1x50x128xf32, #tpu.memory_space<vmem>> -> memref<50x128xf32, #tpu.memory_space<vmem>>
      %dma_start3A_1005 = arith.constant 0 : i32
      %dma_start3A_1006 = tpu.memref_slice %arg5[%add3A_977, %dma_start3A_1005] : memref<128x50xi32, #tpu.memory_space<vmem>> -> memref<1x50xi32, #tpu.memory_space<vmem>>
      %dma_start3A_1007 = tpu.memref_squeeze %dma_start3A_1006 : memref<1x50xi32, #tpu.memory_space<vmem>> -> memref<50xi32, #tpu.memory_space<vmem>>
      %dma_start3A_1008 = arith.constant 0 : i32
      %dma_start3A_1009 = arith.constant 0 : i32
      %dma_start3A_1010 = tpu.memref_slice %arg2[%dma_start3A_1008, %dma_start3A_1009] : memref<100000x128xf32, #tpu.memory_space<hbm>> -> memref<100000x128xf32, #tpu.memory_space<hbm>>
      %dma_start3A_1011 = tpu.memref_slice %arg7[%dma_start3A_1000] : memref<8x!tpu.dma_semaphore, #tpu.memory_space<semaphore_mem>> -> memref<1x!tpu.dma_semaphore, #tpu.memory_space<semaphore_mem>>
      %dma_start3A_1012 = tpu.memref_squeeze %dma_start3A_1011 : memref<1x!tpu.dma_semaphore, #tpu.memory_space<semaphore_mem>> -> memref<!tpu.dma_semaphore, #tpu.memory_space<semaphore_mem>>
      tpu.enqueue_indirect_dma source(%dma_start3A_1010 : memref<100000x128xf32, #tpu.memory_space<hbm>>) target(%dma_start3A_1004 : memref<50x128xf32, #tpu.memory_space<vmem>>) offsets(%dma_start3A_1007 : memref<50xi32, #tpu.memory_space<vmem>>) semaphore(%dma_start3A_1012 : memref<!tpu.dma_semaphore, #tpu.memory_space<semaphore_mem>>)
      %sub3A_1013 = arith.constant 6 : i32
      %sub3A_1014 = arith.subi %add3A_977, %sub3A_1013 : i32
      %dma_wait3A_1015 = arith.constant 7 : i32
      %dma_wait3A_1016 = arith.constant 7 : i32
      %dma_wait3A_1017 = arith.constant 0 : i32
      %dma_wait3A_1018 = arith.constant 0 : i32
      %dma_wait3A_1019 = tpu.memref_slice %arg6[%dma_wait3A_1015, %dma_wait3A_1017, %dma_wait3A_1018] : memref<8x50x128xf32, #tpu.memory_space<vmem>> -> memref<1x50x128xf32, #tpu.memory_space<vmem>>
      %dma_wait3A_1020 = tpu.memref_squeeze %dma_wait3A_1019 : memref<1x50x128xf32, #tpu.memory_space<vmem>> -> memref<50x128xf32, #tpu.memory_space<vmem>>
      %dma_wait3A_1021 = arith.constant 0 : i32
      %dma_wait3A_1022 = tpu.memref_slice %arg5[%sub3A_1014, %dma_wait3A_1021] : memref<128x50xi32, #tpu.memory_space<vmem>> -> memref<1x50xi32, #tpu.memory_space<vmem>>
      %dma_wait3A_1023 = tpu.memref_squeeze %dma_wait3A_1022 : memref<1x50xi32, #tpu.memory_space<vmem>> -> memref<50xi32, #tpu.memory_space<vmem>>
      %dma_wait3A_1024 = arith.constant 0 : i32
      %dma_wait3A_1025 = arith.constant 0 : i32
      %dma_wait3A_1026 = tpu.memref_slice %arg2[%dma_wait3A_1024, %dma_wait3A_1025] : memref<100000x128xf32, #tpu.memory_space<hbm>> -> memref<100000x128xf32, #tpu.memory_space<hbm>>
      %dma_wait3A_1027 = tpu.memref_slice %arg7[%dma_wait3A_1016] : memref<8x!tpu.dma_semaphore, #tpu.memory_space<semaphore_mem>> -> memref<1x!tpu.dma_semaphore, #tpu.memory_space<semaphore_mem>>
      %dma_wait3A_1028 = tpu.memref_squeeze %dma_wait3A_1027 : memref<1x!tpu.dma_semaphore, #tpu.memory_space<semaphore_mem>> -> memref<!tpu.dma_semaphore, #tpu.memory_space<semaphore_mem>>
      tpu.wait_indirect_dma semaphore(%dma_wait3A_1028 : memref<!tpu.dma_semaphore, #tpu.memory_space<semaphore_mem>>) src(%dma_wait3A_1026 : memref<100000x128xf32, #tpu.memory_space<hbm>>) dst(%dma_wait3A_1020 : memref<50x128xf32, #tpu.memory_space<vmem>>)
      %sub3A_1029 = arith.constant 6 : i32
      %sub3A_1030 = arith.subi %add3A_977, %sub3A_1029 : i32
      %add3A_1031 = arith.addi %mul3A_2, %sub3A_1030 : i32
      %dma_start3A_1032 = arith.constant 7 : i32
      %dma_start3A_1033 = arith.constant 7 : i32
      %dma_start3A_1034 = arith.constant 0 : i32
      %dma_start3A_1035 = arith.constant 0 : i32
      %dma_start3A_1036 = tpu.memref_slice %arg6[%dma_start3A_1032, %dma_start3A_1034, %dma_start3A_1035] : memref<8x50x128xf32, #tpu.memory_space<vmem>> -> memref<1x50x128xf32, #tpu.memory_space<vmem>>
      %dma_start3A_1037 = tpu.memref_squeeze %dma_start3A_1036 : memref<1x50x128xf32, #tpu.memory_space<vmem>> -> memref<50x128xf32, #tpu.memory_space<vmem>>
      %dma_start3A_1038 = arith.constant 0 : i32
      %dma_start3A_1039 = arith.constant 0 : i32
      %dma_start3A_1040 = tpu.memref_slice %arg4[%add3A_1031, %dma_start3A_1038, %dma_start3A_1039] : memref<4096x50x128xf32, #tpu.memory_space<hbm>> -> memref<1x50x128xf32, #tpu.memory_space<hbm>>
      %dma_start3A_1041 = tpu.memref_squeeze %dma_start3A_1040 : memref<1x50x128xf32, #tpu.memory_space<hbm>> -> memref<50x128xf32, #tpu.memory_space<hbm>>
      %dma_start3A_1042 = tpu.memref_slice %arg8[%dma_start3A_1033] : memref<8x!tpu.dma_semaphore, #tpu.memory_space<semaphore_mem>> -> memref<1x!tpu.dma_semaphore, #tpu.memory_space<semaphore_mem>>
      %dma_start3A_1043 = tpu.memref_squeeze %dma_start3A_1042 : memref<1x!tpu.dma_semaphore, #tpu.memory_space<semaphore_mem>> -> memref<!tpu.dma_semaphore, #tpu.memory_space<semaphore_mem>>
      %dma_start3A_1044 = arith.constant 0 : i32
      %dma_start3A_1045 = arith.constant 0 : i32
      %dma_start3A_1046 = tpu.memref_slice %arg4[%add3A_1031, %dma_start3A_1044, %dma_start3A_1045] : memref<4096x50x128xf32, #tpu.memory_space<hbm>> -> memref<1x50x128xf32, #tpu.memory_space<hbm>>
      %dma_start3A_1047 = tpu.memref_squeeze %dma_start3A_1046 : memref<1x50x128xf32, #tpu.memory_space<hbm>> -> memref<50x128xf32, #tpu.memory_space<hbm>>
      %dma_start3A_1048 = arith.constant 0 : i32
      %dma_start3A_1049 = arith.constant 0 : i32
      %dma_start3A_1050 = tpu.memref_slice %arg6[%dma_start3A_1032, %dma_start3A_1048, %dma_start3A_1049] : memref<8x50x128xf32, #tpu.memory_space<vmem>> -> memref<1x50x128xf32, #tpu.memory_space<vmem>>
      %dma_start3A_1051 = tpu.memref_squeeze %dma_start3A_1050 : memref<1x50x128xf32, #tpu.memory_space<vmem>> -> memref<50x128xf32, #tpu.memory_space<vmem>>
      tpu.enqueue_dma source(%dma_start3A_1051 : memref<50x128xf32, #tpu.memory_space<vmem>>) target(%dma_start3A_1047 : memref<50x128xf32, #tpu.memory_space<hbm>>) target_semaphore(%dma_start3A_1043 : memref<!tpu.dma_semaphore, #tpu.memory_space<semaphore_mem>>)
      %add3A_1052 = arith.constant 6 : i32
      %add3A_1053 = arith.addi %add3A_596, %add3A_1052 : i32
      %dma_wait3A_1054 = arith.constant 6 : i32
      %dma_wait3A_1055 = arith.constant 0 : i32
      %dma_wait3A_1056 = arith.constant 6 : i32
      %dma_wait3A_1057 = arith.constant 0 : i32
      %dma_wait3A_1058 = arith.constant 0 : i32
      %dma_wait3A_1059 = tpu.memref_slice %arg6[%dma_wait3A_1054, %dma_wait3A_1057, %dma_wait3A_1058] : memref<8x50x128xf32, #tpu.memory_space<vmem>> -> memref<1x50x128xf32, #tpu.memory_space<vmem>>
      %dma_wait3A_1060 = tpu.memref_squeeze %dma_wait3A_1059 : memref<1x50x128xf32, #tpu.memory_space<vmem>> -> memref<50x128xf32, #tpu.memory_space<vmem>>
      %dma_wait3A_1061 = arith.constant 0 : i32
      %dma_wait3A_1062 = arith.constant 0 : i32
      %dma_wait3A_1063 = tpu.memref_slice %arg4[%dma_wait3A_1055, %dma_wait3A_1061, %dma_wait3A_1062] : memref<4096x50x128xf32, #tpu.memory_space<hbm>> -> memref<1x50x128xf32, #tpu.memory_space<hbm>>
      %dma_wait3A_1064 = tpu.memref_squeeze %dma_wait3A_1063 : memref<1x50x128xf32, #tpu.memory_space<hbm>> -> memref<50x128xf32, #tpu.memory_space<hbm>>
      %dma_wait3A_1065 = tpu.memref_slice %arg8[%dma_wait3A_1056] : memref<8x!tpu.dma_semaphore, #tpu.memory_space<semaphore_mem>> -> memref<1x!tpu.dma_semaphore, #tpu.memory_space<semaphore_mem>>
      %dma_wait3A_1066 = tpu.memref_squeeze %dma_wait3A_1065 : memref<1x!tpu.dma_semaphore, #tpu.memory_space<semaphore_mem>> -> memref<!tpu.dma_semaphore, #tpu.memory_space<semaphore_mem>>
      %dma_wait3A_1067 = arith.constant 0 : i32
      %dma_wait3A_1068 = arith.constant 0 : i32
      %dma_wait3A_1069 = tpu.memref_slice %arg4[%dma_wait3A_1055, %dma_wait3A_1067, %dma_wait3A_1068] : memref<4096x50x128xf32, #tpu.memory_space<hbm>> -> memref<1x50x128xf32, #tpu.memory_space<hbm>>
      %dma_wait3A_1070 = tpu.memref_squeeze %dma_wait3A_1069 : memref<1x50x128xf32, #tpu.memory_space<hbm>> -> memref<50x128xf32, #tpu.memory_space<hbm>>
      %dma_wait3A_1071 = arith.constant 0 : i32
      %dma_wait3A_1072 = arith.constant 0 : i32
      %dma_wait3A_1073 = tpu.memref_slice %arg6[%dma_wait3A_1054, %dma_wait3A_1071, %dma_wait3A_1072] : memref<8x50x128xf32, #tpu.memory_space<vmem>> -> memref<1x50x128xf32, #tpu.memory_space<vmem>>
      %dma_wait3A_1074 = tpu.memref_squeeze %dma_wait3A_1073 : memref<1x50x128xf32, #tpu.memory_space<vmem>> -> memref<50x128xf32, #tpu.memory_space<vmem>>
      tpu.wait_dma2 semaphore(%dma_wait3A_1066 : memref<!tpu.dma_semaphore, #tpu.memory_space<semaphore_mem>>) src(%dma_wait3A_1074 : memref<50x128xf32, #tpu.memory_space<vmem>>) dst(%dma_wait3A_1070 : memref<50x128xf32, #tpu.memory_space<hbm>>)
      %dma_start3A_1075 = arith.constant 6 : i32
      %dma_start3A_1076 = arith.constant 6 : i32
      %dma_start3A_1077 = arith.constant 0 : i32
      %dma_start3A_1078 = arith.constant 0 : i32
      %dma_start3A_1079 = tpu.memref_slice %arg6[%dma_start3A_1075, %dma_start3A_1077, %dma_start3A_1078] : memref<8x50x128xf32, #tpu.memory_space<vmem>> -> memref<1x50x128xf32, #tpu.memory_space<vmem>>
      %dma_start3A_1080 = tpu.memref_squeeze %dma_start3A_1079 : memref<1x50x128xf32, #tpu.memory_space<vmem>> -> memref<50x128xf32, #tpu.memory_space<vmem>>
      %dma_start3A_1081 = arith.constant 0 : i32
      %dma_start3A_1082 = tpu.memref_slice %arg5[%add3A_1053, %dma_start3A_1081] : memref<128x50xi32, #tpu.memory_space<vmem>> -> memref<1x50xi32, #tpu.memory_space<vmem>>
      %dma_start3A_1083 = tpu.memref_squeeze %dma_start3A_1082 : memref<1x50xi32, #tpu.memory_space<vmem>> -> memref<50xi32, #tpu.memory_space<vmem>>
      %dma_start3A_1084 = arith.constant 0 : i32
      %dma_start3A_1085 = arith.constant 0 : i32
      %dma_start3A_1086 = tpu.memref_slice %arg2[%dma_start3A_1084, %dma_start3A_1085] : memref<100000x128xf32, #tpu.memory_space<hbm>> -> memref<100000x128xf32, #tpu.memory_space<hbm>>
      %dma_start3A_1087 = tpu.memref_slice %arg7[%dma_start3A_1076] : memref<8x!tpu.dma_semaphore, #tpu.memory_space<semaphore_mem>> -> memref<1x!tpu.dma_semaphore, #tpu.memory_space<semaphore_mem>>
      %dma_start3A_1088 = tpu.memref_squeeze %dma_start3A_1087 : memref<1x!tpu.dma_semaphore, #tpu.memory_space<semaphore_mem>> -> memref<!tpu.dma_semaphore, #tpu.memory_space<semaphore_mem>>
      tpu.enqueue_indirect_dma source(%dma_start3A_1086 : memref<100000x128xf32, #tpu.memory_space<hbm>>) target(%dma_start3A_1080 : memref<50x128xf32, #tpu.memory_space<vmem>>) offsets(%dma_start3A_1083 : memref<50xi32, #tpu.memory_space<vmem>>) semaphore(%dma_start3A_1088 : memref<!tpu.dma_semaphore, #tpu.memory_space<semaphore_mem>>)
      %sub3A_1089 = arith.constant 6 : i32
      %sub3A_1090 = arith.subi %add3A_1053, %sub3A_1089 : i32
      %dma_wait3A_1091 = arith.constant 0 : i32
      %dma_wait3A_1092 = arith.constant 0 : i32
      %dma_wait3A_1093 = arith.constant 0 : i32
      %dma_wait3A_1094 = arith.constant 0 : i32
      %dma_wait3A_1095 = tpu.memref_slice %arg6[%dma_wait3A_1091, %dma_wait3A_1093, %dma_wait3A_1094] : memref<8x50x128xf32, #tpu.memory_space<vmem>> -> memref<1x50x128xf32, #tpu.memory_space<vmem>>
      %dma_wait3A_1096 = tpu.memref_squeeze %dma_wait3A_1095 : memref<1x50x128xf32, #tpu.memory_space<vmem>> -> memref<50x128xf32, #tpu.memory_space<vmem>>
      %dma_wait3A_1097 = arith.constant 0 : i32
      %dma_wait3A_1098 = tpu.memref_slice %arg5[%sub3A_1090, %dma_wait3A_1097] : memref<128x50xi32, #tpu.memory_space<vmem>> -> memref<1x50xi32, #tpu.memory_space<vmem>>
      %dma_wait3A_1099 = tpu.memref_squeeze %dma_wait3A_1098 : memref<1x50xi32, #tpu.memory_space<vmem>> -> memref<50xi32, #tpu.memory_space<vmem>>
      %dma_wait3A_1100 = arith.constant 0 : i32
      %dma_wait3A_1101 = arith.constant 0 : i32
      %dma_wait3A_1102 = tpu.memref_slice %arg2[%dma_wait3A_1100, %dma_wait3A_1101] : memref<100000x128xf32, #tpu.memory_space<hbm>> -> memref<100000x128xf32, #tpu.memory_space<hbm>>
      %dma_wait3A_1103 = tpu.memref_slice %arg7[%dma_wait3A_1092] : memref<8x!tpu.dma_semaphore, #tpu.memory_space<semaphore_mem>> -> memref<1x!tpu.dma_semaphore, #tpu.memory_space<semaphore_mem>>
      %dma_wait3A_1104 = tpu.memref_squeeze %dma_wait3A_1103 : memref<1x!tpu.dma_semaphore, #tpu.memory_space<semaphore_mem>> -> memref<!tpu.dma_semaphore, #tpu.memory_space<semaphore_mem>>
      tpu.wait_indirect_dma semaphore(%dma_wait3A_1104 : memref<!tpu.dma_semaphore, #tpu.memory_space<semaphore_mem>>) src(%dma_wait3A_1102 : memref<100000x128xf32, #tpu.memory_space<hbm>>) dst(%dma_wait3A_1096 : memref<50x128xf32, #tpu.memory_space<vmem>>)
      %sub3A_1105 = arith.constant 6 : i32
      %sub3A_1106 = arith.subi %add3A_1053, %sub3A_1105 : i32
      %add3A_1107 = arith.addi %mul3A_2, %sub3A_1106 : i32
      %dma_start3A_1108 = arith.constant 0 : i32
      %dma_start3A_1109 = arith.constant 0 : i32
      %dma_start3A_1110 = arith.constant 0 : i32
      %dma_start3A_1111 = arith.constant 0 : i32
      %dma_start3A_1112 = tpu.memref_slice %arg6[%dma_start3A_1108, %dma_start3A_1110, %dma_start3A_1111] : memref<8x50x128xf32, #tpu.memory_space<vmem>> -> memref<1x50x128xf32, #tpu.memory_space<vmem>>
      %dma_start3A_1113 = tpu.memref_squeeze %dma_start3A_1112 : memref<1x50x128xf32, #tpu.memory_space<vmem>> -> memref<50x128xf32, #tpu.memory_space<vmem>>
      %dma_start3A_1114 = arith.constant 0 : i32
      %dma_start3A_1115 = arith.constant 0 : i32
      %dma_start3A_1116 = tpu.memref_slice %arg4[%add3A_1107, %dma_start3A_1114, %dma_start3A_1115] : memref<4096x50x128xf32, #tpu.memory_space<hbm>> -> memref<1x50x128xf32, #tpu.memory_space<hbm>>
      %dma_start3A_1117 = tpu.memref_squeeze %dma_start3A_1116 : memref<1x50x128xf32, #tpu.memory_space<hbm>> -> memref<50x128xf32, #tpu.memory_space<hbm>>
      %dma_start3A_1118 = tpu.memref_slice %arg8[%dma_start3A_1109] : memref<8x!tpu.dma_semaphore, #tpu.memory_space<semaphore_mem>> -> memref<1x!tpu.dma_semaphore, #tpu.memory_space<semaphore_mem>>
      %dma_start3A_1119 = tpu.memref_squeeze %dma_start3A_1118 : memref<1x!tpu.dma_semaphore, #tpu.memory_space<semaphore_mem>> -> memref<!tpu.dma_semaphore, #tpu.memory_space<semaphore_mem>>
      %dma_start3A_1120 = arith.constant 0 : i32
      %dma_start3A_1121 = arith.constant 0 : i32
      %dma_start3A_1122 = tpu.memref_slice %arg4[%add3A_1107, %dma_start3A_1120, %dma_start3A_1121] : memref<4096x50x128xf32, #tpu.memory_space<hbm>> -> memref<1x50x128xf32, #tpu.memory_space<hbm>>
      %dma_start3A_1123 = tpu.memref_squeeze %dma_start3A_1122 : memref<1x50x128xf32, #tpu.memory_space<hbm>> -> memref<50x128xf32, #tpu.memory_space<hbm>>
      %dma_start3A_1124 = arith.constant 0 : i32
      %dma_start3A_1125 = arith.constant 0 : i32
      %dma_start3A_1126 = tpu.memref_slice %arg6[%dma_start3A_1108, %dma_start3A_1124, %dma_start3A_1125] : memref<8x50x128xf32, #tpu.memory_space<vmem>> -> memref<1x50x128xf32, #tpu.memory_space<vmem>>
      %dma_start3A_1127 = tpu.memref_squeeze %dma_start3A_1126 : memref<1x50x128xf32, #tpu.memory_space<vmem>> -> memref<50x128xf32, #tpu.memory_space<vmem>>
      tpu.enqueue_dma source(%dma_start3A_1127 : memref<50x128xf32, #tpu.memory_space<vmem>>) target(%dma_start3A_1123 : memref<50x128xf32, #tpu.memory_space<hbm>>) target_semaphore(%dma_start3A_1119 : memref<!tpu.dma_semaphore, #tpu.memory_space<semaphore_mem>>)
      %add3A_1128 = arith.constant 7 : i32
      %add3A_1129 = arith.addi %add3A_596, %add3A_1128 : i32
      %dma_wait3A_1130 = arith.constant 7 : i32
      %dma_wait3A_1131 = arith.constant 0 : i32
      %dma_wait3A_1132 = arith.constant 7 : i32
      %dma_wait3A_1133 = arith.constant 0 : i32
      %dma_wait3A_1134 = arith.constant 0 : i32
      %dma_wait3A_1135 = tpu.memref_slice %arg6[%dma_wait3A_1130, %dma_wait3A_1133, %dma_wait3A_1134] : memref<8x50x128xf32, #tpu.memory_space<vmem>> -> memref<1x50x128xf32, #tpu.memory_space<vmem>>
      %dma_wait3A_1136 = tpu.memref_squeeze %dma_wait3A_1135 : memref<1x50x128xf32, #tpu.memory_space<vmem>> -> memref<50x128xf32, #tpu.memory_space<vmem>>
      %dma_wait3A_1137 = arith.constant 0 : i32
      %dma_wait3A_1138 = arith.constant 0 : i32
      %dma_wait3A_1139 = tpu.memref_slice %arg4[%dma_wait3A_1131, %dma_wait3A_1137, %dma_wait3A_1138] : memref<4096x50x128xf32, #tpu.memory_space<hbm>> -> memref<1x50x128xf32, #tpu.memory_space<hbm>>
      %dma_wait3A_1140 = tpu.memref_squeeze %dma_wait3A_1139 : memref<1x50x128xf32, #tpu.memory_space<hbm>> -> memref<50x128xf32, #tpu.memory_space<hbm>>
      %dma_wait3A_1141 = tpu.memref_slice %arg8[%dma_wait3A_1132] : memref<8x!tpu.dma_semaphore, #tpu.memory_space<semaphore_mem>> -> memref<1x!tpu.dma_semaphore, #tpu.memory_space<semaphore_mem>>
      %dma_wait3A_1142 = tpu.memref_squeeze %dma_wait3A_1141 : memref<1x!tpu.dma_semaphore, #tpu.memory_space<semaphore_mem>> -> memref<!tpu.dma_semaphore, #tpu.memory_space<semaphore_mem>>
      %dma_wait3A_1143 = arith.constant 0 : i32
      %dma_wait3A_1144 = arith.constant 0 : i32
      %dma_wait3A_1145 = tpu.memref_slice %arg4[%dma_wait3A_1131, %dma_wait3A_1143, %dma_wait3A_1144] : memref<4096x50x128xf32, #tpu.memory_space<hbm>> -> memref<1x50x128xf32, #tpu.memory_space<hbm>>
      %dma_wait3A_1146 = tpu.memref_squeeze %dma_wait3A_1145 : memref<1x50x128xf32, #tpu.memory_space<hbm>> -> memref<50x128xf32, #tpu.memory_space<hbm>>
      %dma_wait3A_1147 = arith.constant 0 : i32
      %dma_wait3A_1148 = arith.constant 0 : i32
      %dma_wait3A_1149 = tpu.memref_slice %arg6[%dma_wait3A_1130, %dma_wait3A_1147, %dma_wait3A_1148] : memref<8x50x128xf32, #tpu.memory_space<vmem>> -> memref<1x50x128xf32, #tpu.memory_space<vmem>>
      %dma_wait3A_1150 = tpu.memref_squeeze %dma_wait3A_1149 : memref<1x50x128xf32, #tpu.memory_space<vmem>> -> memref<50x128xf32, #tpu.memory_space<vmem>>
      tpu.wait_dma2 semaphore(%dma_wait3A_1142 : memref<!tpu.dma_semaphore, #tpu.memory_space<semaphore_mem>>) src(%dma_wait3A_1150 : memref<50x128xf32, #tpu.memory_space<vmem>>) dst(%dma_wait3A_1146 : memref<50x128xf32, #tpu.memory_space<hbm>>)
      %dma_start3A_1151 = arith.constant 7 : i32
      %dma_start3A_1152 = arith.constant 7 : i32
      %dma_start3A_1153 = arith.constant 0 : i32
      %dma_start3A_1154 = arith.constant 0 : i32
      %dma_start3A_1155 = tpu.memref_slice %arg6[%dma_start3A_1151, %dma_start3A_1153, %dma_start3A_1154] : memref<8x50x128xf32, #tpu.memory_space<vmem>> -> memref<1x50x128xf32, #tpu.memory_space<vmem>>
      %dma_start3A_1156 = tpu.memref_squeeze %dma_start3A_1155 : memref<1x50x128xf32, #tpu.memory_space<vmem>> -> memref<50x128xf32, #tpu.memory_space<vmem>>
      %dma_start3A_1157 = arith.constant 0 : i32
      %dma_start3A_1158 = tpu.memref_slice %arg5[%add3A_1129, %dma_start3A_1157] : memref<128x50xi32, #tpu.memory_space<vmem>> -> memref<1x50xi32, #tpu.memory_space<vmem>>
      %dma_start3A_1159 = tpu.memref_squeeze %dma_start3A_1158 : memref<1x50xi32, #tpu.memory_space<vmem>> -> memref<50xi32, #tpu.memory_space<vmem>>
      %dma_start3A_1160 = arith.constant 0 : i32
      %dma_start3A_1161 = arith.constant 0 : i32
      %dma_start3A_1162 = tpu.memref_slice %arg2[%dma_start3A_1160, %dma_start3A_1161] : memref<100000x128xf32, #tpu.memory_space<hbm>> -> memref<100000x128xf32, #tpu.memory_space<hbm>>
      %dma_start3A_1163 = tpu.memref_slice %arg7[%dma_start3A_1152] : memref<8x!tpu.dma_semaphore, #tpu.memory_space<semaphore_mem>> -> memref<1x!tpu.dma_semaphore, #tpu.memory_space<semaphore_mem>>
      %dma_start3A_1164 = tpu.memref_squeeze %dma_start3A_1163 : memref<1x!tpu.dma_semaphore, #tpu.memory_space<semaphore_mem>> -> memref<!tpu.dma_semaphore, #tpu.memory_space<semaphore_mem>>
      tpu.enqueue_indirect_dma source(%dma_start3A_1162 : memref<100000x128xf32, #tpu.memory_space<hbm>>) target(%dma_start3A_1156 : memref<50x128xf32, #tpu.memory_space<vmem>>) offsets(%dma_start3A_1159 : memref<50xi32, #tpu.memory_space<vmem>>) semaphore(%dma_start3A_1164 : memref<!tpu.dma_semaphore, #tpu.memory_space<semaphore_mem>>)
      %sub3A_1165 = arith.constant 6 : i32
      %sub3A_1166 = arith.subi %add3A_1129, %sub3A_1165 : i32
      %dma_wait3A_1167 = arith.constant 1 : i32
      %dma_wait3A_1168 = arith.constant 1 : i32
      %dma_wait3A_1169 = arith.constant 0 : i32
      %dma_wait3A_1170 = arith.constant 0 : i32
      %dma_wait3A_1171 = tpu.memref_slice %arg6[%dma_wait3A_1167, %dma_wait3A_1169, %dma_wait3A_1170] : memref<8x50x128xf32, #tpu.memory_space<vmem>> -> memref<1x50x128xf32, #tpu.memory_space<vmem>>
      %dma_wait3A_1172 = tpu.memref_squeeze %dma_wait3A_1171 : memref<1x50x128xf32, #tpu.memory_space<vmem>> -> memref<50x128xf32, #tpu.memory_space<vmem>>
      %dma_wait3A_1173 = arith.constant 0 : i32
      %dma_wait3A_1174 = tpu.memref_slice %arg5[%sub3A_1166, %dma_wait3A_1173] : memref<128x50xi32, #tpu.memory_space<vmem>> -> memref<1x50xi32, #tpu.memory_space<vmem>>
      %dma_wait3A_1175 = tpu.memref_squeeze %dma_wait3A_1174 : memref<1x50xi32, #tpu.memory_space<vmem>> -> memref<50xi32, #tpu.memory_space<vmem>>
      %dma_wait3A_1176 = arith.constant 0 : i32
      %dma_wait3A_1177 = arith.constant 0 : i32
      %dma_wait3A_1178 = tpu.memref_slice %arg2[%dma_wait3A_1176, %dma_wait3A_1177] : memref<100000x128xf32, #tpu.memory_space<hbm>> -> memref<100000x128xf32, #tpu.memory_space<hbm>>
      %dma_wait3A_1179 = tpu.memref_slice %arg7[%dma_wait3A_1168] : memref<8x!tpu.dma_semaphore, #tpu.memory_space<semaphore_mem>> -> memref<1x!tpu.dma_semaphore, #tpu.memory_space<semaphore_mem>>
      %dma_wait3A_1180 = tpu.memref_squeeze %dma_wait3A_1179 : memref<1x!tpu.dma_semaphore, #tpu.memory_space<semaphore_mem>> -> memref<!tpu.dma_semaphore, #tpu.memory_space<semaphore_mem>>
      tpu.wait_indirect_dma semaphore(%dma_wait3A_1180 : memref<!tpu.dma_semaphore, #tpu.memory_space<semaphore_mem>>) src(%dma_wait3A_1178 : memref<100000x128xf32, #tpu.memory_space<hbm>>) dst(%dma_wait3A_1172 : memref<50x128xf32, #tpu.memory_space<vmem>>)
      %sub3A_1181 = arith.constant 6 : i32
      %sub3A_1182 = arith.subi %add3A_1129, %sub3A_1181 : i32
      %add3A_1183 = arith.addi %mul3A_2, %sub3A_1182 : i32
      %dma_start3A_1184 = arith.constant 1 : i32
      %dma_start3A_1185 = arith.constant 1 : i32
      %dma_start3A_1186 = arith.constant 0 : i32
      %dma_start3A_1187 = arith.constant 0 : i32
      %dma_start3A_1188 = tpu.memref_slice %arg6[%dma_start3A_1184, %dma_start3A_1186, %dma_start3A_1187] : memref<8x50x128xf32, #tpu.memory_space<vmem>> -> memref<1x50x128xf32, #tpu.memory_space<vmem>>
      %dma_start3A_1189 = tpu.memref_squeeze %dma_start3A_1188 : memref<1x50x128xf32, #tpu.memory_space<vmem>> -> memref<50x128xf32, #tpu.memory_space<vmem>>
      %dma_start3A_1190 = arith.constant 0 : i32
      %dma_start3A_1191 = arith.constant 0 : i32
      %dma_start3A_1192 = tpu.memref_slice %arg4[%add3A_1183, %dma_start3A_1190, %dma_start3A_1191] : memref<4096x50x128xf32, #tpu.memory_space<hbm>> -> memref<1x50x128xf32, #tpu.memory_space<hbm>>
      %dma_start3A_1193 = tpu.memref_squeeze %dma_start3A_1192 : memref<1x50x128xf32, #tpu.memory_space<hbm>> -> memref<50x128xf32, #tpu.memory_space<hbm>>
      %dma_start3A_1194 = tpu.memref_slice %arg8[%dma_start3A_1185] : memref<8x!tpu.dma_semaphore, #tpu.memory_space<semaphore_mem>> -> memref<1x!tpu.dma_semaphore, #tpu.memory_space<semaphore_mem>>
      %dma_start3A_1195 = tpu.memref_squeeze %dma_start3A_1194 : memref<1x!tpu.dma_semaphore, #tpu.memory_space<semaphore_mem>> -> memref<!tpu.dma_semaphore, #tpu.memory_space<semaphore_mem>>
      %dma_start3A_1196 = arith.constant 0 : i32
      %dma_start3A_1197 = arith.constant 0 : i32
      %dma_start3A_1198 = tpu.memref_slice %arg4[%add3A_1183, %dma_start3A_1196, %dma_start3A_1197] : memref<4096x50x128xf32, #tpu.memory_space<hbm>> -> memref<1x50x128xf32, #tpu.memory_space<hbm>>
      %dma_start3A_1199 = tpu.memref_squeeze %dma_start3A_1198 : memref<1x50x128xf32, #tpu.memory_space<hbm>> -> memref<50x128xf32, #tpu.memory_space<hbm>>
      %dma_start3A_1200 = arith.constant 0 : i32
      %dma_start3A_1201 = arith.constant 0 : i32
      %dma_start3A_1202 = tpu.memref_slice %arg6[%dma_start3A_1184, %dma_start3A_1200, %dma_start3A_1201] : memref<8x50x128xf32, #tpu.memory_space<vmem>> -> memref<1x50x128xf32, #tpu.memory_space<vmem>>
      %dma_start3A_1203 = tpu.memref_squeeze %dma_start3A_1202 : memref<1x50x128xf32, #tpu.memory_space<vmem>> -> memref<50x128xf32, #tpu.memory_space<vmem>>
      tpu.enqueue_dma source(%dma_start3A_1203 : memref<50x128xf32, #tpu.memory_space<vmem>>) target(%dma_start3A_1199 : memref<50x128xf32, #tpu.memory_space<hbm>>) target_semaphore(%dma_start3A_1195 : memref<!tpu.dma_semaphore, #tpu.memory_space<semaphore_mem>>)
    }
    %scan3A_201 = arith.constant 15 : i32
    %dma_wait3A_202 = arith.constant 122 : i32
    %dma_wait3A_203 = arith.constant 2 : i32
    %dma_wait3A_204 = arith.constant 2 : i32
    %dma_wait3A_205 = arith.constant 0 : i32
    %dma_wait3A_206 = arith.constant 0 : i32
    %dma_wait3A_207 = tpu.memref_slice %arg6[%dma_wait3A_203, %dma_wait3A_205, %dma_wait3A_206] : memref<8x50x128xf32, #tpu.memory_space<vmem>> -> memref<1x50x128xf32, #tpu.memory_space<vmem>>
    %dma_wait3A_208 = tpu.memref_squeeze %dma_wait3A_207 : memref<1x50x128xf32, #tpu.memory_space<vmem>> -> memref<50x128xf32, #tpu.memory_space<vmem>>
    %dma_wait3A_209 = arith.constant 0 : i32
    %dma_wait3A_210 = tpu.memref_slice %arg5[%dma_wait3A_202, %dma_wait3A_209] : memref<128x50xi32, #tpu.memory_space<vmem>> -> memref<1x50xi32, #tpu.memory_space<vmem>>
    %dma_wait3A_211 = tpu.memref_squeeze %dma_wait3A_210 : memref<1x50xi32, #tpu.memory_space<vmem>> -> memref<50xi32, #tpu.memory_space<vmem>>
    %dma_wait3A_212 = arith.constant 0 : i32
    %dma_wait3A_213 = arith.constant 0 : i32
    %dma_wait3A_214 = tpu.memref_slice %arg2[%dma_wait3A_212, %dma_wait3A_213] : memref<100000x128xf32, #tpu.memory_space<hbm>> -> memref<100000x128xf32, #tpu.memory_space<hbm>>
    %dma_wait3A_215 = tpu.memref_slice %arg7[%dma_wait3A_204] : memref<8x!tpu.dma_semaphore, #tpu.memory_space<semaphore_mem>> -> memref<1x!tpu.dma_semaphore, #tpu.memory_space<semaphore_mem>>
    %dma_wait3A_216 = tpu.memref_squeeze %dma_wait3A_215 : memref<1x!tpu.dma_semaphore, #tpu.memory_space<semaphore_mem>> -> memref<!tpu.dma_semaphore, #tpu.memory_space<semaphore_mem>>
    tpu.wait_indirect_dma semaphore(%dma_wait3A_216 : memref<!tpu.dma_semaphore, #tpu.memory_space<semaphore_mem>>) src(%dma_wait3A_214 : memref<100000x128xf32, #tpu.memory_space<hbm>>) dst(%dma_wait3A_208 : memref<50x128xf32, #tpu.memory_space<vmem>>)
    %add3A_217 = arith.constant 122 : i32
    %add3A_218 = arith.addi %mul3A_2, %add3A_217 : i32
    %dma_start3A_219 = arith.constant 2 : i32
    %dma_start3A_220 = arith.constant 2 : i32
    %dma_start3A_221 = arith.constant 0 : i32
    %dma_start3A_222 = arith.constant 0 : i32
    %dma_start3A_223 = tpu.memref_slice %arg6[%dma_start3A_219, %dma_start3A_221, %dma_start3A_222] : memref<8x50x128xf32, #tpu.memory_space<vmem>> -> memref<1x50x128xf32, #tpu.memory_space<vmem>>
    %dma_start3A_224 = tpu.memref_squeeze %dma_start3A_223 : memref<1x50x128xf32, #tpu.memory_space<vmem>> -> memref<50x128xf32, #tpu.memory_space<vmem>>
    %dma_start3A_225 = arith.constant 0 : i32
    %dma_start3A_226 = arith.constant 0 : i32
    %dma_start3A_227 = tpu.memref_slice %arg4[%add3A_218, %dma_start3A_225, %dma_start3A_226] : memref<4096x50x128xf32, #tpu.memory_space<hbm>> -> memref<1x50x128xf32, #tpu.memory_space<hbm>>
    %dma_start3A_228 = tpu.memref_squeeze %dma_start3A_227 : memref<1x50x128xf32, #tpu.memory_space<hbm>> -> memref<50x128xf32, #tpu.memory_space<hbm>>
    %dma_start3A_229 = tpu.memref_slice %arg8[%dma_start3A_220] : memref<8x!tpu.dma_semaphore, #tpu.memory_space<semaphore_mem>> -> memref<1x!tpu.dma_semaphore, #tpu.memory_space<semaphore_mem>>
    %dma_start3A_230 = tpu.memref_squeeze %dma_start3A_229 : memref<1x!tpu.dma_semaphore, #tpu.memory_space<semaphore_mem>> -> memref<!tpu.dma_semaphore, #tpu.memory_space<semaphore_mem>>
    %dma_start3A_231 = arith.constant 0 : i32
    %dma_start3A_232 = arith.constant 0 : i32
    %dma_start3A_233 = tpu.memref_slice %arg4[%add3A_218, %dma_start3A_231, %dma_start3A_232] : memref<4096x50x128xf32, #tpu.memory_space<hbm>> -> memref<1x50x128xf32, #tpu.memory_space<hbm>>
    %dma_start3A_234 = tpu.memref_squeeze %dma_start3A_233 : memref<1x50x128xf32, #tpu.memory_space<hbm>> -> memref<50x128xf32, #tpu.memory_space<hbm>>
    %dma_start3A_235 = arith.constant 0 : i32
    %dma_start3A_236 = arith.constant 0 : i32
    %dma_start3A_237 = tpu.memref_slice %arg6[%dma_start3A_219, %dma_start3A_235, %dma_start3A_236] : memref<8x50x128xf32, #tpu.memory_space<vmem>> -> memref<1x50x128xf32, #tpu.memory_space<vmem>>
    %dma_start3A_238 = tpu.memref_squeeze %dma_start3A_237 : memref<1x50x128xf32, #tpu.memory_space<vmem>> -> memref<50x128xf32, #tpu.memory_space<vmem>>
    tpu.enqueue_dma source(%dma_start3A_238 : memref<50x128xf32, #tpu.memory_space<vmem>>) target(%dma_start3A_234 : memref<50x128xf32, #tpu.memory_space<hbm>>) target_semaphore(%dma_start3A_230 : memref<!tpu.dma_semaphore, #tpu.memory_space<semaphore_mem>>)
    %dma_wait3A_239 = arith.constant 123 : i32
    %dma_wait3A_240 = arith.constant 3 : i32
    %dma_wait3A_241 = arith.constant 3 : i32
    %dma_wait3A_242 = arith.constant 0 : i32
    %dma_wait3A_243 = arith.constant 0 : i32
    %dma_wait3A_244 = tpu.memref_slice %arg6[%dma_wait3A_240, %dma_wait3A_242, %dma_wait3A_243] : memref<8x50x128xf32, #tpu.memory_space<vmem>> -> memref<1x50x128xf32, #tpu.memory_space<vmem>>
    %dma_wait3A_245 = tpu.memref_squeeze %dma_wait3A_244 : memref<1x50x128xf32, #tpu.memory_space<vmem>> -> memref<50x128xf32, #tpu.memory_space<vmem>>
    %dma_wait3A_246 = arith.constant 0 : i32
    %dma_wait3A_247 = tpu.memref_slice %arg5[%dma_wait3A_239, %dma_wait3A_246] : memref<128x50xi32, #tpu.memory_space<vmem>> -> memref<1x50xi32, #tpu.memory_space<vmem>>
    %dma_wait3A_248 = tpu.memref_squeeze %dma_wait3A_247 : memref<1x50xi32, #tpu.memory_space<vmem>> -> memref<50xi32, #tpu.memory_space<vmem>>
    %dma_wait3A_249 = arith.constant 0 : i32
    %dma_wait3A_250 = arith.constant 0 : i32
    %dma_wait3A_251 = tpu.memref_slice %arg2[%dma_wait3A_249, %dma_wait3A_250] : memref<100000x128xf32, #tpu.memory_space<hbm>> -> memref<100000x128xf32, #tpu.memory_space<hbm>>
    %dma_wait3A_252 = tpu.memref_slice %arg7[%dma_wait3A_241] : memref<8x!tpu.dma_semaphore, #tpu.memory_space<semaphore_mem>> -> memref<1x!tpu.dma_semaphore, #tpu.memory_space<semaphore_mem>>
    %dma_wait3A_253 = tpu.memref_squeeze %dma_wait3A_252 : memref<1x!tpu.dma_semaphore, #tpu.memory_space<semaphore_mem>> -> memref<!tpu.dma_semaphore, #tpu.memory_space<semaphore_mem>>
    tpu.wait_indirect_dma semaphore(%dma_wait3A_253 : memref<!tpu.dma_semaphore, #tpu.memory_space<semaphore_mem>>) src(%dma_wait3A_251 : memref<100000x128xf32, #tpu.memory_space<hbm>>) dst(%dma_wait3A_245 : memref<50x128xf32, #tpu.memory_space<vmem>>)
    %add3A_254 = arith.constant 123 : i32
    %add3A_255 = arith.addi %mul3A_2, %add3A_254 : i32
    %dma_start3A_256 = arith.constant 3 : i32
    %dma_start3A_257 = arith.constant 3 : i32
    %dma_start3A_258 = arith.constant 0 : i32
    %dma_start3A_259 = arith.constant 0 : i32
    %dma_start3A_260 = tpu.memref_slice %arg6[%dma_start3A_256, %dma_start3A_258, %dma_start3A_259] : memref<8x50x128xf32, #tpu.memory_space<vmem>> -> memref<1x50x128xf32, #tpu.memory_space<vmem>>
    %dma_start3A_261 = tpu.memref_squeeze %dma_start3A_260 : memref<1x50x128xf32, #tpu.memory_space<vmem>> -> memref<50x128xf32, #tpu.memory_space<vmem>>
    %dma_start3A_262 = arith.constant 0 : i32
    %dma_start3A_263 = arith.constant 0 : i32
    %dma_start3A_264 = tpu.memref_slice %arg4[%add3A_255, %dma_start3A_262, %dma_start3A_263] : memref<4096x50x128xf32, #tpu.memory_space<hbm>> -> memref<1x50x128xf32, #tpu.memory_space<hbm>>
    %dma_start3A_265 = tpu.memref_squeeze %dma_start3A_264 : memref<1x50x128xf32, #tpu.memory_space<hbm>> -> memref<50x128xf32, #tpu.memory_space<hbm>>
    %dma_start3A_266 = tpu.memref_slice %arg8[%dma_start3A_257] : memref<8x!tpu.dma_semaphore, #tpu.memory_space<semaphore_mem>> -> memref<1x!tpu.dma_semaphore, #tpu.memory_space<semaphore_mem>>
    %dma_start3A_267 = tpu.memref_squeeze %dma_start3A_266 : memref<1x!tpu.dma_semaphore, #tpu.memory_space<semaphore_mem>> -> memref<!tpu.dma_semaphore, #tpu.memory_space<semaphore_mem>>
    %dma_start3A_268 = arith.constant 0 : i32
    %dma_start3A_269 = arith.constant 0 : i32
    %dma_start3A_270 = tpu.memref_slice %arg4[%add3A_255, %dma_start3A_268, %dma_start3A_269] : memref<4096x50x128xf32, #tpu.memory_space<hbm>> -> memref<1x50x128xf32, #tpu.memory_space<hbm>>
    %dma_start3A_271 = tpu.memref_squeeze %dma_start3A_270 : memref<1x50x128xf32, #tpu.memory_space<hbm>> -> memref<50x128xf32, #tpu.memory_space<hbm>>
    %dma_start3A_272 = arith.constant 0 : i32
    %dma_start3A_273 = arith.constant 0 : i32
    %dma_start3A_274 = tpu.memref_slice %arg6[%dma_start3A_256, %dma_start3A_272, %dma_start3A_273] : memref<8x50x128xf32, #tpu.memory_space<vmem>> -> memref<1x50x128xf32, #tpu.memory_space<vmem>>
    %dma_start3A_275 = tpu.memref_squeeze %dma_start3A_274 : memref<1x50x128xf32, #tpu.memory_space<vmem>> -> memref<50x128xf32, #tpu.memory_space<vmem>>
    tpu.enqueue_dma source(%dma_start3A_275 : memref<50x128xf32, #tpu.memory_space<vmem>>) target(%dma_start3A_271 : memref<50x128xf32, #tpu.memory_space<hbm>>) target_semaphore(%dma_start3A_267 : memref<!tpu.dma_semaphore, #tpu.memory_space<semaphore_mem>>)
    %dma_wait3A_276 = arith.constant 124 : i32
    %dma_wait3A_277 = arith.constant 4 : i32
    %dma_wait3A_278 = arith.constant 4 : i32
    %dma_wait3A_279 = arith.constant 0 : i32
    %dma_wait3A_280 = arith.constant 0 : i32
    %dma_wait3A_281 = tpu.memref_slice %arg6[%dma_wait3A_277, %dma_wait3A_279, %dma_wait3A_280] : memref<8x50x128xf32, #tpu.memory_space<vmem>> -> memref<1x50x128xf32, #tpu.memory_space<vmem>>
    %dma_wait3A_282 = tpu.memref_squeeze %dma_wait3A_281 : memref<1x50x128xf32, #tpu.memory_space<vmem>> -> memref<50x128xf32, #tpu.memory_space<vmem>>
    %dma_wait3A_283 = arith.constant 0 : i32
    %dma_wait3A_284 = tpu.memref_slice %arg5[%dma_wait3A_276, %dma_wait3A_283] : memref<128x50xi32, #tpu.memory_space<vmem>> -> memref<1x50xi32, #tpu.memory_space<vmem>>
    %dma_wait3A_285 = tpu.memref_squeeze %dma_wait3A_284 : memref<1x50xi32, #tpu.memory_space<vmem>> -> memref<50xi32, #tpu.memory_space<vmem>>
    %dma_wait3A_286 = arith.constant 0 : i32
    %dma_wait3A_287 = arith.constant 0 : i32
    %dma_wait3A_288 = tpu.memref_slice %arg2[%dma_wait3A_286, %dma_wait3A_287] : memref<100000x128xf32, #tpu.memory_space<hbm>> -> memref<100000x128xf32, #tpu.memory_space<hbm>>
    %dma_wait3A_289 = tpu.memref_slice %arg7[%dma_wait3A_278] : memref<8x!tpu.dma_semaphore, #tpu.memory_space<semaphore_mem>> -> memref<1x!tpu.dma_semaphore, #tpu.memory_space<semaphore_mem>>
    %dma_wait3A_290 = tpu.memref_squeeze %dma_wait3A_289 : memref<1x!tpu.dma_semaphore, #tpu.memory_space<semaphore_mem>> -> memref<!tpu.dma_semaphore, #tpu.memory_space<semaphore_mem>>
    tpu.wait_indirect_dma semaphore(%dma_wait3A_290 : memref<!tpu.dma_semaphore, #tpu.memory_space<semaphore_mem>>) src(%dma_wait3A_288 : memref<100000x128xf32, #tpu.memory_space<hbm>>) dst(%dma_wait3A_282 : memref<50x128xf32, #tpu.memory_space<vmem>>)
    %add3A_291 = arith.constant 124 : i32
    %add3A_292 = arith.addi %mul3A_2, %add3A_291 : i32
    %dma_start3A_293 = arith.constant 4 : i32
    %dma_start3A_294 = arith.constant 4 : i32
    %dma_start3A_295 = arith.constant 0 : i32
    %dma_start3A_296 = arith.constant 0 : i32
    %dma_start3A_297 = tpu.memref_slice %arg6[%dma_start3A_293, %dma_start3A_295, %dma_start3A_296] : memref<8x50x128xf32, #tpu.memory_space<vmem>> -> memref<1x50x128xf32, #tpu.memory_space<vmem>>
    %dma_start3A_298 = tpu.memref_squeeze %dma_start3A_297 : memref<1x50x128xf32, #tpu.memory_space<vmem>> -> memref<50x128xf32, #tpu.memory_space<vmem>>
    %dma_start3A_299 = arith.constant 0 : i32
    %dma_start3A_300 = arith.constant 0 : i32
    %dma_start3A_301 = tpu.memref_slice %arg4[%add3A_292, %dma_start3A_299, %dma_start3A_300] : memref<4096x50x128xf32, #tpu.memory_space<hbm>> -> memref<1x50x128xf32, #tpu.memory_space<hbm>>
    %dma_start3A_302 = tpu.memref_squeeze %dma_start3A_301 : memref<1x50x128xf32, #tpu.memory_space<hbm>> -> memref<50x128xf32, #tpu.memory_space<hbm>>
    %dma_start3A_303 = tpu.memref_slice %arg8[%dma_start3A_294] : memref<8x!tpu.dma_semaphore, #tpu.memory_space<semaphore_mem>> -> memref<1x!tpu.dma_semaphore, #tpu.memory_space<semaphore_mem>>
    %dma_start3A_304 = tpu.memref_squeeze %dma_start3A_303 : memref<1x!tpu.dma_semaphore, #tpu.memory_space<semaphore_mem>> -> memref<!tpu.dma_semaphore, #tpu.memory_space<semaphore_mem>>
    %dma_start3A_305 = arith.constant 0 : i32
    %dma_start3A_306 = arith.constant 0 : i32
    %dma_start3A_307 = tpu.memref_slice %arg4[%add3A_292, %dma_start3A_305, %dma_start3A_306] : memref<4096x50x128xf32, #tpu.memory_space<hbm>> -> memref<1x50x128xf32, #tpu.memory_space<hbm>>
    %dma_start3A_308 = tpu.memref_squeeze %dma_start3A_307 : memref<1x50x128xf32, #tpu.memory_space<hbm>> -> memref<50x128xf32, #tpu.memory_space<hbm>>
    %dma_start3A_309 = arith.constant 0 : i32
    %dma_start3A_310 = arith.constant 0 : i32
    %dma_start3A_311 = tpu.memref_slice %arg6[%dma_start3A_293, %dma_start3A_309, %dma_start3A_310] : memref<8x50x128xf32, #tpu.memory_space<vmem>> -> memref<1x50x128xf32, #tpu.memory_space<vmem>>
    %dma_start3A_312 = tpu.memref_squeeze %dma_start3A_311 : memref<1x50x128xf32, #tpu.memory_space<vmem>> -> memref<50x128xf32, #tpu.memory_space<vmem>>
    tpu.enqueue_dma source(%dma_start3A_312 : memref<50x128xf32, #tpu.memory_space<vmem>>) target(%dma_start3A_308 : memref<50x128xf32, #tpu.memory_space<hbm>>) target_semaphore(%dma_start3A_304 : memref<!tpu.dma_semaphore, #tpu.memory_space<semaphore_mem>>)
    %dma_wait3A_313 = arith.constant 125 : i32
    %dma_wait3A_314 = arith.constant 5 : i32
    %dma_wait3A_315 = arith.constant 5 : i32
    %dma_wait3A_316 = arith.constant 0 : i32
    %dma_wait3A_317 = arith.constant 0 : i32
    %dma_wait3A_318 = tpu.memref_slice %arg6[%dma_wait3A_314, %dma_wait3A_316, %dma_wait3A_317] : memref<8x50x128xf32, #tpu.memory_space<vmem>> -> memref<1x50x128xf32, #tpu.memory_space<vmem>>
    %dma_wait3A_319 = tpu.memref_squeeze %dma_wait3A_318 : memref<1x50x128xf32, #tpu.memory_space<vmem>> -> memref<50x128xf32, #tpu.memory_space<vmem>>
    %dma_wait3A_320 = arith.constant 0 : i32
    %dma_wait3A_321 = tpu.memref_slice %arg5[%dma_wait3A_313, %dma_wait3A_320] : memref<128x50xi32, #tpu.memory_space<vmem>> -> memref<1x50xi32, #tpu.memory_space<vmem>>
    %dma_wait3A_322 = tpu.memref_squeeze %dma_wait3A_321 : memref<1x50xi32, #tpu.memory_space<vmem>> -> memref<50xi32, #tpu.memory_space<vmem>>
    %dma_wait3A_323 = arith.constant 0 : i32
    %dma_wait3A_324 = arith.constant 0 : i32
    %dma_wait3A_325 = tpu.memref_slice %arg2[%dma_wait3A_323, %dma_wait3A_324] : memref<100000x128xf32, #tpu.memory_space<hbm>> -> memref<100000x128xf32, #tpu.memory_space<hbm>>
    %dma_wait3A_326 = tpu.memref_slice %arg7[%dma_wait3A_315] : memref<8x!tpu.dma_semaphore, #tpu.memory_space<semaphore_mem>> -> memref<1x!tpu.dma_semaphore, #tpu.memory_space<semaphore_mem>>
    %dma_wait3A_327 = tpu.memref_squeeze %dma_wait3A_326 : memref<1x!tpu.dma_semaphore, #tpu.memory_space<semaphore_mem>> -> memref<!tpu.dma_semaphore, #tpu.memory_space<semaphore_mem>>
    tpu.wait_indirect_dma semaphore(%dma_wait3A_327 : memref<!tpu.dma_semaphore, #tpu.memory_space<semaphore_mem>>) src(%dma_wait3A_325 : memref<100000x128xf32, #tpu.memory_space<hbm>>) dst(%dma_wait3A_319 : memref<50x128xf32, #tpu.memory_space<vmem>>)
    %add3A_328 = arith.constant 125 : i32
    %add3A_329 = arith.addi %mul3A_2, %add3A_328 : i32
    %dma_start3A_330 = arith.constant 5 : i32
    %dma_start3A_331 = arith.constant 5 : i32
    %dma_start3A_332 = arith.constant 0 : i32
    %dma_start3A_333 = arith.constant 0 : i32
    %dma_start3A_334 = tpu.memref_slice %arg6[%dma_start3A_330, %dma_start3A_332, %dma_start3A_333] : memref<8x50x128xf32, #tpu.memory_space<vmem>> -> memref<1x50x128xf32, #tpu.memory_space<vmem>>
    %dma_start3A_335 = tpu.memref_squeeze %dma_start3A_334 : memref<1x50x128xf32, #tpu.memory_space<vmem>> -> memref<50x128xf32, #tpu.memory_space<vmem>>
    %dma_start3A_336 = arith.constant 0 : i32
    %dma_start3A_337 = arith.constant 0 : i32
    %dma_start3A_338 = tpu.memref_slice %arg4[%add3A_329, %dma_start3A_336, %dma_start3A_337] : memref<4096x50x128xf32, #tpu.memory_space<hbm>> -> memref<1x50x128xf32, #tpu.memory_space<hbm>>
    %dma_start3A_339 = tpu.memref_squeeze %dma_start3A_338 : memref<1x50x128xf32, #tpu.memory_space<hbm>> -> memref<50x128xf32, #tpu.memory_space<hbm>>
    %dma_start3A_340 = tpu.memref_slice %arg8[%dma_start3A_331] : memref<8x!tpu.dma_semaphore, #tpu.memory_space<semaphore_mem>> -> memref<1x!tpu.dma_semaphore, #tpu.memory_space<semaphore_mem>>
    %dma_start3A_341 = tpu.memref_squeeze %dma_start3A_340 : memref<1x!tpu.dma_semaphore, #tpu.memory_space<semaphore_mem>> -> memref<!tpu.dma_semaphore, #tpu.memory_space<semaphore_mem>>
    %dma_start3A_342 = arith.constant 0 : i32
    %dma_start3A_343 = arith.constant 0 : i32
    %dma_start3A_344 = tpu.memref_slice %arg4[%add3A_329, %dma_start3A_342, %dma_start3A_343] : memref<4096x50x128xf32, #tpu.memory_space<hbm>> -> memref<1x50x128xf32, #tpu.memory_space<hbm>>
    %dma_start3A_345 = tpu.memref_squeeze %dma_start3A_344 : memref<1x50x128xf32, #tpu.memory_space<hbm>> -> memref<50x128xf32, #tpu.memory_space<hbm>>
    %dma_start3A_346 = arith.constant 0 : i32
    %dma_start3A_347 = arith.constant 0 : i32
    %dma_start3A_348 = tpu.memref_slice %arg6[%dma_start3A_330, %dma_start3A_346, %dma_start3A_347] : memref<8x50x128xf32, #tpu.memory_space<vmem>> -> memref<1x50x128xf32, #tpu.memory_space<vmem>>
    %dma_start3A_349 = tpu.memref_squeeze %dma_start3A_348 : memref<1x50x128xf32, #tpu.memory_space<vmem>> -> memref<50x128xf32, #tpu.memory_space<vmem>>
    tpu.enqueue_dma source(%dma_start3A_349 : memref<50x128xf32, #tpu.memory_space<vmem>>) target(%dma_start3A_345 : memref<50x128xf32, #tpu.memory_space<hbm>>) target_semaphore(%dma_start3A_341 : memref<!tpu.dma_semaphore, #tpu.memory_space<semaphore_mem>>)
    %dma_wait3A_350 = arith.constant 126 : i32
    %dma_wait3A_351 = arith.constant 6 : i32
    %dma_wait3A_352 = arith.constant 6 : i32
    %dma_wait3A_353 = arith.constant 0 : i32
    %dma_wait3A_354 = arith.constant 0 : i32
    %dma_wait3A_355 = tpu.memref_slice %arg6[%dma_wait3A_351, %dma_wait3A_353, %dma_wait3A_354] : memref<8x50x128xf32, #tpu.memory_space<vmem>> -> memref<1x50x128xf32, #tpu.memory_space<vmem>>
    %dma_wait3A_356 = tpu.memref_squeeze %dma_wait3A_355 : memref<1x50x128xf32, #tpu.memory_space<vmem>> -> memref<50x128xf32, #tpu.memory_space<vmem>>
    %dma_wait3A_357 = arith.constant 0 : i32
    %dma_wait3A_358 = tpu.memref_slice %arg5[%dma_wait3A_350, %dma_wait3A_357] : memref<128x50xi32, #tpu.memory_space<vmem>> -> memref<1x50xi32, #tpu.memory_space<vmem>>
    %dma_wait3A_359 = tpu.memref_squeeze %dma_wait3A_358 : memref<1x50xi32, #tpu.memory_space<vmem>> -> memref<50xi32, #tpu.memory_space<vmem>>
    %dma_wait3A_360 = arith.constant 0 : i32
    %dma_wait3A_361 = arith.constant 0 : i32
    %dma_wait3A_362 = tpu.memref_slice %arg2[%dma_wait3A_360, %dma_wait3A_361] : memref<100000x128xf32, #tpu.memory_space<hbm>> -> memref<100000x128xf32, #tpu.memory_space<hbm>>
    %dma_wait3A_363 = tpu.memref_slice %arg7[%dma_wait3A_352] : memref<8x!tpu.dma_semaphore, #tpu.memory_space<semaphore_mem>> -> memref<1x!tpu.dma_semaphore, #tpu.memory_space<semaphore_mem>>
    %dma_wait3A_364 = tpu.memref_squeeze %dma_wait3A_363 : memref<1x!tpu.dma_semaphore, #tpu.memory_space<semaphore_mem>> -> memref<!tpu.dma_semaphore, #tpu.memory_space<semaphore_mem>>
    tpu.wait_indirect_dma semaphore(%dma_wait3A_364 : memref<!tpu.dma_semaphore, #tpu.memory_space<semaphore_mem>>) src(%dma_wait3A_362 : memref<100000x128xf32, #tpu.memory_space<hbm>>) dst(%dma_wait3A_356 : memref<50x128xf32, #tpu.memory_space<vmem>>)
    %add3A_365 = arith.constant 126 : i32
    %add3A_366 = arith.addi %mul3A_2, %add3A_365 : i32
    %dma_start3A_367 = arith.constant 6 : i32
    %dma_start3A_368 = arith.constant 6 : i32
    %dma_start3A_369 = arith.constant 0 : i32
    %dma_start3A_370 = arith.constant 0 : i32
    %dma_start3A_371 = tpu.memref_slice %arg6[%dma_start3A_367, %dma_start3A_369, %dma_start3A_370] : memref<8x50x128xf32, #tpu.memory_space<vmem>> -> memref<1x50x128xf32, #tpu.memory_space<vmem>>
    %dma_start3A_372 = tpu.memref_squeeze %dma_start3A_371 : memref<1x50x128xf32, #tpu.memory_space<vmem>> -> memref<50x128xf32, #tpu.memory_space<vmem>>
    %dma_start3A_373 = arith.constant 0 : i32
    %dma_start3A_374 = arith.constant 0 : i32
    %dma_start3A_375 = tpu.memref_slice %arg4[%add3A_366, %dma_start3A_373, %dma_start3A_374] : memref<4096x50x128xf32, #tpu.memory_space<hbm>> -> memref<1x50x128xf32, #tpu.memory_space<hbm>>
    %dma_start3A_376 = tpu.memref_squeeze %dma_start3A_375 : memref<1x50x128xf32, #tpu.memory_space<hbm>> -> memref<50x128xf32, #tpu.memory_space<hbm>>
    %dma_start3A_377 = tpu.memref_slice %arg8[%dma_start3A_368] : memref<8x!tpu.dma_semaphore, #tpu.memory_space<semaphore_mem>> -> memref<1x!tpu.dma_semaphore, #tpu.memory_space<semaphore_mem>>
    %dma_start3A_378 = tpu.memref_squeeze %dma_start3A_377 : memref<1x!tpu.dma_semaphore, #tpu.memory_space<semaphore_mem>> -> memref<!tpu.dma_semaphore, #tpu.memory_space<semaphore_mem>>
    %dma_start3A_379 = arith.constant 0 : i32
    %dma_start3A_380 = arith.constant 0 : i32
    %dma_start3A_381 = tpu.memref_slice %arg4[%add3A_366, %dma_start3A_379, %dma_start3A_380] : memref<4096x50x128xf32, #tpu.memory_space<hbm>> -> memref<1x50x128xf32, #tpu.memory_space<hbm>>
    %dma_start3A_382 = tpu.memref_squeeze %dma_start3A_381 : memref<1x50x128xf32, #tpu.memory_space<hbm>> -> memref<50x128xf32, #tpu.memory_space<hbm>>
    %dma_start3A_383 = arith.constant 0 : i32
    %dma_start3A_384 = arith.constant 0 : i32
    %dma_start3A_385 = tpu.memref_slice %arg6[%dma_start3A_367, %dma_start3A_383, %dma_start3A_384] : memref<8x50x128xf32, #tpu.memory_space<vmem>> -> memref<1x50x128xf32, #tpu.memory_space<vmem>>
    %dma_start3A_386 = tpu.memref_squeeze %dma_start3A_385 : memref<1x50x128xf32, #tpu.memory_space<vmem>> -> memref<50x128xf32, #tpu.memory_space<vmem>>
    tpu.enqueue_dma source(%dma_start3A_386 : memref<50x128xf32, #tpu.memory_space<vmem>>) target(%dma_start3A_382 : memref<50x128xf32, #tpu.memory_space<hbm>>) target_semaphore(%dma_start3A_378 : memref<!tpu.dma_semaphore, #tpu.memory_space<semaphore_mem>>)
    %dma_wait3A_387 = arith.constant 127 : i32
    %dma_wait3A_388 = arith.constant 7 : i32
    %dma_wait3A_389 = arith.constant 7 : i32
    %dma_wait3A_390 = arith.constant 0 : i32
    %dma_wait3A_391 = arith.constant 0 : i32
    %dma_wait3A_392 = tpu.memref_slice %arg6[%dma_wait3A_388, %dma_wait3A_390, %dma_wait3A_391] : memref<8x50x128xf32, #tpu.memory_space<vmem>> -> memref<1x50x128xf32, #tpu.memory_space<vmem>>
    %dma_wait3A_393 = tpu.memref_squeeze %dma_wait3A_392 : memref<1x50x128xf32, #tpu.memory_space<vmem>> -> memref<50x128xf32, #tpu.memory_space<vmem>>
    %dma_wait3A_394 = arith.constant 0 : i32
    %dma_wait3A_395 = tpu.memref_slice %arg5[%dma_wait3A_387, %dma_wait3A_394] : memref<128x50xi32, #tpu.memory_space<vmem>> -> memref<1x50xi32, #tpu.memory_space<vmem>>
    %dma_wait3A_396 = tpu.memref_squeeze %dma_wait3A_395 : memref<1x50xi32, #tpu.memory_space<vmem>> -> memref<50xi32, #tpu.memory_space<vmem>>
    %dma_wait3A_397 = arith.constant 0 : i32
    %dma_wait3A_398 = arith.constant 0 : i32
    %dma_wait3A_399 = tpu.memref_slice %arg2[%dma_wait3A_397, %dma_wait3A_398] : memref<100000x128xf32, #tpu.memory_space<hbm>> -> memref<100000x128xf32, #tpu.memory_space<hbm>>
    %dma_wait3A_400 = tpu.memref_slice %arg7[%dma_wait3A_389] : memref<8x!tpu.dma_semaphore, #tpu.memory_space<semaphore_mem>> -> memref<1x!tpu.dma_semaphore, #tpu.memory_space<semaphore_mem>>
    %dma_wait3A_401 = tpu.memref_squeeze %dma_wait3A_400 : memref<1x!tpu.dma_semaphore, #tpu.memory_space<semaphore_mem>> -> memref<!tpu.dma_semaphore, #tpu.memory_space<semaphore_mem>>
    tpu.wait_indirect_dma semaphore(%dma_wait3A_401 : memref<!tpu.dma_semaphore, #tpu.memory_space<semaphore_mem>>) src(%dma_wait3A_399 : memref<100000x128xf32, #tpu.memory_space<hbm>>) dst(%dma_wait3A_393 : memref<50x128xf32, #tpu.memory_space<vmem>>)
    %add3A_402 = arith.constant 127 : i32
    %add3A_403 = arith.addi %mul3A_2, %add3A_402 : i32
    %dma_start3A_404 = arith.constant 7 : i32
    %dma_start3A_405 = arith.constant 7 : i32
    %dma_start3A_406 = arith.constant 0 : i32
    %dma_start3A_407 = arith.constant 0 : i32
    %dma_start3A_408 = tpu.memref_slice %arg6[%dma_start3A_404, %dma_start3A_406, %dma_start3A_407] : memref<8x50x128xf32, #tpu.memory_space<vmem>> -> memref<1x50x128xf32, #tpu.memory_space<vmem>>
    %dma_start3A_409 = tpu.memref_squeeze %dma_start3A_408 : memref<1x50x128xf32, #tpu.memory_space<vmem>> -> memref<50x128xf32, #tpu.memory_space<vmem>>
    %dma_start3A_410 = arith.constant 0 : i32
    %dma_start3A_411 = arith.constant 0 : i32
    %dma_start3A_412 = tpu.memref_slice %arg4[%add3A_403, %dma_start3A_410, %dma_start3A_411] : memref<4096x50x128xf32, #tpu.memory_space<hbm>> -> memref<1x50x128xf32, #tpu.memory_space<hbm>>
    %dma_start3A_413 = tpu.memref_squeeze %dma_start3A_412 : memref<1x50x128xf32, #tpu.memory_space<hbm>> -> memref<50x128xf32, #tpu.memory_space<hbm>>
    %dma_start3A_414 = tpu.memref_slice %arg8[%dma_start3A_405] : memref<8x!tpu.dma_semaphore, #tpu.memory_space<semaphore_mem>> -> memref<1x!tpu.dma_semaphore, #tpu.memory_space<semaphore_mem>>
    %dma_start3A_415 = tpu.memref_squeeze %dma_start3A_414 : memref<1x!tpu.dma_semaphore, #tpu.memory_space<semaphore_mem>> -> memref<!tpu.dma_semaphore, #tpu.memory_space<semaphore_mem>>
    %dma_start3A_416 = arith.constant 0 : i32
    %dma_start3A_417 = arith.constant 0 : i32
    %dma_start3A_418 = tpu.memref_slice %arg4[%add3A_403, %dma_start3A_416, %dma_start3A_417] : memref<4096x50x128xf32, #tpu.memory_space<hbm>> -> memref<1x50x128xf32, #tpu.memory_space<hbm>>
    %dma_start3A_419 = tpu.memref_squeeze %dma_start3A_418 : memref<1x50x128xf32, #tpu.memory_space<hbm>> -> memref<50x128xf32, #tpu.memory_space<hbm>>
    %dma_start3A_420 = arith.constant 0 : i32
    %dma_start3A_421 = arith.constant 0 : i32
    %dma_start3A_422 = tpu.memref_slice %arg6[%dma_start3A_404, %dma_start3A_420, %dma_start3A_421] : memref<8x50x128xf32, #tpu.memory_space<vmem>> -> memref<1x50x128xf32, #tpu.memory_space<vmem>>
    %dma_start3A_423 = tpu.memref_squeeze %dma_start3A_422 : memref<1x50x128xf32, #tpu.memory_space<vmem>> -> memref<50x128xf32, #tpu.memory_space<vmem>>
    tpu.enqueue_dma source(%dma_start3A_423 : memref<50x128xf32, #tpu.memory_space<vmem>>) target(%dma_start3A_419 : memref<50x128xf32, #tpu.memory_space<hbm>>) target_semaphore(%dma_start3A_415 : memref<!tpu.dma_semaphore, #tpu.memory_space<semaphore_mem>>)
    %dma_wait3A_424 = arith.constant 0 : i32
    %dma_wait3A_425 = arith.constant 0 : i32
    %dma_wait3A_426 = arith.constant 0 : i32
    %dma_wait3A_427 = arith.constant 0 : i32
    %dma_wait3A_428 = arith.constant 0 : i32
    %dma_wait3A_429 = tpu.memref_slice %arg6[%dma_wait3A_424, %dma_wait3A_427, %dma_wait3A_428] : memref<8x50x128xf32, #tpu.memory_space<vmem>> -> memref<1x50x128xf32, #tpu.memory_space<vmem>>
    %dma_wait3A_430 = tpu.memref_squeeze %dma_wait3A_429 : memref<1x50x128xf32, #tpu.memory_space<vmem>> -> memref<50x128xf32, #tpu.memory_space<vmem>>
    %dma_wait3A_431 = arith.constant 0 : i32
    %dma_wait3A_432 = arith.constant 0 : i32
    %dma_wait3A_433 = tpu.memref_slice %arg4[%dma_wait3A_425, %dma_wait3A_431, %dma_wait3A_432] : memref<4096x50x128xf32, #tpu.memory_space<hbm>> -> memref<1x50x128xf32, #tpu.memory_space<hbm>>
    %dma_wait3A_434 = tpu.memref_squeeze %dma_wait3A_433 : memref<1x50x128xf32, #tpu.memory_space<hbm>> -> memref<50x128xf32, #tpu.memory_space<hbm>>
    %dma_wait3A_435 = tpu.memref_slice %arg8[%dma_wait3A_426] : memref<8x!tpu.dma_semaphore, #tpu.memory_space<semaphore_mem>> -> memref<1x!tpu.dma_semaphore, #tpu.memory_space<semaphore_mem>>
    %dma_wait3A_436 = tpu.memref_squeeze %dma_wait3A_435 : memref<1x!tpu.dma_semaphore, #tpu.memory_space<semaphore_mem>> -> memref<!tpu.dma_semaphore, #tpu.memory_space<semaphore_mem>>
    %dma_wait3A_437 = arith.constant 0 : i32
    %dma_wait3A_438 = arith.constant 0 : i32
    %dma_wait3A_439 = tpu.memref_slice %arg4[%dma_wait3A_425, %dma_wait3A_437, %dma_wait3A_438] : memref<4096x50x128xf32, #tpu.memory_space<hbm>> -> memref<1x50x128xf32, #tpu.memory_space<hbm>>
    %dma_wait3A_440 = tpu.memref_squeeze %dma_wait3A_439 : memref<1x50x128xf32, #tpu.memory_space<hbm>> -> memref<50x128xf32, #tpu.memory_space<hbm>>
    %dma_wait3A_441 = arith.constant 0 : i32
    %dma_wait3A_442 = arith.constant 0 : i32
    %dma_wait3A_443 = tpu.memref_slice %arg6[%dma_wait3A_424, %dma_wait3A_441, %dma_wait3A_442] : memref<8x50x128xf32, #tpu.memory_space<vmem>> -> memref<1x50x128xf32, #tpu.memory_space<vmem>>
    %dma_wait3A_444 = tpu.memref_squeeze %dma_wait3A_443 : memref<1x50x128xf32, #tpu.memory_space<vmem>> -> memref<50x128xf32, #tpu.memory_space<vmem>>
    tpu.wait_dma2 semaphore(%dma_wait3A_436 : memref<!tpu.dma_semaphore, #tpu.memory_space<semaphore_mem>>) src(%dma_wait3A_444 : memref<50x128xf32, #tpu.memory_space<vmem>>) dst(%dma_wait3A_440 : memref<50x128xf32, #tpu.memory_space<hbm>>)
    %dma_wait3A_445 = arith.constant 1 : i32
    %dma_wait3A_446 = arith.constant 0 : i32
    %dma_wait3A_447 = arith.constant 1 : i32
    %dma_wait3A_448 = arith.constant 0 : i32
    %dma_wait3A_449 = arith.constant 0 : i32
    %dma_wait3A_450 = tpu.memref_slice %arg6[%dma_wait3A_445, %dma_wait3A_448, %dma_wait3A_449] : memref<8x50x128xf32, #tpu.memory_space<vmem>> -> memref<1x50x128xf32, #tpu.memory_space<vmem>>
    %dma_wait3A_451 = tpu.memref_squeeze %dma_wait3A_450 : memref<1x50x128xf32, #tpu.memory_space<vmem>> -> memref<50x128xf32, #tpu.memory_space<vmem>>
    %dma_wait3A_452 = arith.constant 0 : i32
    %dma_wait3A_453 = arith.constant 0 : i32
    %dma_wait3A_454 = tpu.memref_slice %arg4[%dma_wait3A_446, %dma_wait3A_452, %dma_wait3A_453] : memref<4096x50x128xf32, #tpu.memory_space<hbm>> -> memref<1x50x128xf32, #tpu.memory_space<hbm>>
    %dma_wait3A_455 = tpu.memref_squeeze %dma_wait3A_454 : memref<1x50x128xf32, #tpu.memory_space<hbm>> -> memref<50x128xf32, #tpu.memory_space<hbm>>
    %dma_wait3A_456 = tpu.memref_slice %arg8[%dma_wait3A_447] : memref<8x!tpu.dma_semaphore, #tpu.memory_space<semaphore_mem>> -> memref<1x!tpu.dma_semaphore, #tpu.memory_space<semaphore_mem>>
    %dma_wait3A_457 = tpu.memref_squeeze %dma_wait3A_456 : memref<1x!tpu.dma_semaphore, #tpu.memory_space<semaphore_mem>> -> memref<!tpu.dma_semaphore, #tpu.memory_space<semaphore_mem>>
    %dma_wait3A_458 = arith.constant 0 : i32
    %dma_wait3A_459 = arith.constant 0 : i32
    %dma_wait3A_460 = tpu.memref_slice %arg4[%dma_wait3A_446, %dma_wait3A_458, %dma_wait3A_459] : memref<4096x50x128xf32, #tpu.memory_space<hbm>> -> memref<1x50x128xf32, #tpu.memory_space<hbm>>
    %dma_wait3A_461 = tpu.memref_squeeze %dma_wait3A_460 : memref<1x50x128xf32, #tpu.memory_space<hbm>> -> memref<50x128xf32, #tpu.memory_space<hbm>>
    %dma_wait3A_462 = arith.constant 0 : i32
    %dma_wait3A_463 = arith.constant 0 : i32
    %dma_wait3A_464 = tpu.memref_slice %arg6[%dma_wait3A_445, %dma_wait3A_462, %dma_wait3A_463] : memref<8x50x128xf32, #tpu.memory_space<vmem>> -> memref<1x50x128xf32, #tpu.memory_space<vmem>>
    %dma_wait3A_465 = tpu.memref_squeeze %dma_wait3A_464 : memref<1x50x128xf32, #tpu.memory_space<vmem>> -> memref<50x128xf32, #tpu.memory_space<vmem>>
    tpu.wait_dma2 semaphore(%dma_wait3A_457 : memref<!tpu.dma_semaphore, #tpu.memory_space<semaphore_mem>>) src(%dma_wait3A_465 : memref<50x128xf32, #tpu.memory_space<vmem>>) dst(%dma_wait3A_461 : memref<50x128xf32, #tpu.memory_space<hbm>>)
    %dma_wait3A_466 = arith.constant 2 : i32
    %dma_wait3A_467 = arith.constant 0 : i32
    %dma_wait3A_468 = arith.constant 2 : i32
    %dma_wait3A_469 = arith.constant 0 : i32
    %dma_wait3A_470 = arith.constant 0 : i32
    %dma_wait3A_471 = tpu.memref_slice %arg6[%dma_wait3A_466, %dma_wait3A_469, %dma_wait3A_470] : memref<8x50x128xf32, #tpu.memory_space<vmem>> -> memref<1x50x128xf32, #tpu.memory_space<vmem>>
    %dma_wait3A_472 = tpu.memref_squeeze %dma_wait3A_471 : memref<1x50x128xf32, #tpu.memory_space<vmem>> -> memref<50x128xf32, #tpu.memory_space<vmem>>
    %dma_wait3A_473 = arith.constant 0 : i32
    %dma_wait3A_474 = arith.constant 0 : i32
    %dma_wait3A_475 = tpu.memref_slice %arg4[%dma_wait3A_467, %dma_wait3A_473, %dma_wait3A_474] : memref<4096x50x128xf32, #tpu.memory_space<hbm>> -> memref<1x50x128xf32, #tpu.memory_space<hbm>>
    %dma_wait3A_476 = tpu.memref_squeeze %dma_wait3A_475 : memref<1x50x128xf32, #tpu.memory_space<hbm>> -> memref<50x128xf32, #tpu.memory_space<hbm>>
    %dma_wait3A_477 = tpu.memref_slice %arg8[%dma_wait3A_468] : memref<8x!tpu.dma_semaphore, #tpu.memory_space<semaphore_mem>> -> memref<1x!tpu.dma_semaphore, #tpu.memory_space<semaphore_mem>>
    %dma_wait3A_478 = tpu.memref_squeeze %dma_wait3A_477 : memref<1x!tpu.dma_semaphore, #tpu.memory_space<semaphore_mem>> -> memref<!tpu.dma_semaphore, #tpu.memory_space<semaphore_mem>>
    %dma_wait3A_479 = arith.constant 0 : i32
    %dma_wait3A_480 = arith.constant 0 : i32
    %dma_wait3A_481 = tpu.memref_slice %arg4[%dma_wait3A_467, %dma_wait3A_479, %dma_wait3A_480] : memref<4096x50x128xf32, #tpu.memory_space<hbm>> -> memref<1x50x128xf32, #tpu.memory_space<hbm>>
    %dma_wait3A_482 = tpu.memref_squeeze %dma_wait3A_481 : memref<1x50x128xf32, #tpu.memory_space<hbm>> -> memref<50x128xf32, #tpu.memory_space<hbm>>
    %dma_wait3A_483 = arith.constant 0 : i32
    %dma_wait3A_484 = arith.constant 0 : i32
    %dma_wait3A_485 = tpu.memref_slice %arg6[%dma_wait3A_466, %dma_wait3A_483, %dma_wait3A_484] : memref<8x50x128xf32, #tpu.memory_space<vmem>> -> memref<1x50x128xf32, #tpu.memory_space<vmem>>
    %dma_wait3A_486 = tpu.memref_squeeze %dma_wait3A_485 : memref<1x50x128xf32, #tpu.memory_space<vmem>> -> memref<50x128xf32, #tpu.memory_space<vmem>>
    tpu.wait_dma2 semaphore(%dma_wait3A_478 : memref<!tpu.dma_semaphore, #tpu.memory_space<semaphore_mem>>) src(%dma_wait3A_486 : memref<50x128xf32, #tpu.memory_space<vmem>>) dst(%dma_wait3A_482 : memref<50x128xf32, #tpu.memory_space<hbm>>)
    %dma_wait3A_487 = arith.constant 3 : i32
    %dma_wait3A_488 = arith.constant 0 : i32
    %dma_wait3A_489 = arith.constant 3 : i32
    %dma_wait3A_490 = arith.constant 0 : i32
    %dma_wait3A_491 = arith.constant 0 : i32
    %dma_wait3A_492 = tpu.memref_slice %arg6[%dma_wait3A_487, %dma_wait3A_490, %dma_wait3A_491] : memref<8x50x128xf32, #tpu.memory_space<vmem>> -> memref<1x50x128xf32, #tpu.memory_space<vmem>>
    %dma_wait3A_493 = tpu.memref_squeeze %dma_wait3A_492 : memref<1x50x128xf32, #tpu.memory_space<vmem>> -> memref<50x128xf32, #tpu.memory_space<vmem>>
    %dma_wait3A_494 = arith.constant 0 : i32
    %dma_wait3A_495 = arith.constant 0 : i32
    %dma_wait3A_496 = tpu.memref_slice %arg4[%dma_wait3A_488, %dma_wait3A_494, %dma_wait3A_495] : memref<4096x50x128xf32, #tpu.memory_space<hbm>> -> memref<1x50x128xf32, #tpu.memory_space<hbm>>
    %dma_wait3A_497 = tpu.memref_squeeze %dma_wait3A_496 : memref<1x50x128xf32, #tpu.memory_space<hbm>> -> memref<50x128xf32, #tpu.memory_space<hbm>>
    %dma_wait3A_498 = tpu.memref_slice %arg8[%dma_wait3A_489] : memref<8x!tpu.dma_semaphore, #tpu.memory_space<semaphore_mem>> -> memref<1x!tpu.dma_semaphore, #tpu.memory_space<semaphore_mem>>
    %dma_wait3A_499 = tpu.memref_squeeze %dma_wait3A_498 : memref<1x!tpu.dma_semaphore, #tpu.memory_space<semaphore_mem>> -> memref<!tpu.dma_semaphore, #tpu.memory_space<semaphore_mem>>
    %dma_wait3A_500 = arith.constant 0 : i32
    %dma_wait3A_501 = arith.constant 0 : i32
    %dma_wait3A_502 = tpu.memref_slice %arg4[%dma_wait3A_488, %dma_wait3A_500, %dma_wait3A_501] : memref<4096x50x128xf32, #tpu.memory_space<hbm>> -> memref<1x50x128xf32, #tpu.memory_space<hbm>>
    %dma_wait3A_503 = tpu.memref_squeeze %dma_wait3A_502 : memref<1x50x128xf32, #tpu.memory_space<hbm>> -> memref<50x128xf32, #tpu.memory_space<hbm>>
    %dma_wait3A_504 = arith.constant 0 : i32
    %dma_wait3A_505 = arith.constant 0 : i32
    %dma_wait3A_506 = tpu.memref_slice %arg6[%dma_wait3A_487, %dma_wait3A_504, %dma_wait3A_505] : memref<8x50x128xf32, #tpu.memory_space<vmem>> -> memref<1x50x128xf32, #tpu.memory_space<vmem>>
    %dma_wait3A_507 = tpu.memref_squeeze %dma_wait3A_506 : memref<1x50x128xf32, #tpu.memory_space<vmem>> -> memref<50x128xf32, #tpu.memory_space<vmem>>
    tpu.wait_dma2 semaphore(%dma_wait3A_499 : memref<!tpu.dma_semaphore, #tpu.memory_space<semaphore_mem>>) src(%dma_wait3A_507 : memref<50x128xf32, #tpu.memory_space<vmem>>) dst(%dma_wait3A_503 : memref<50x128xf32, #tpu.memory_space<hbm>>)
    %dma_wait3A_508 = arith.constant 4 : i32
    %dma_wait3A_509 = arith.constant 0 : i32
    %dma_wait3A_510 = arith.constant 4 : i32
    %dma_wait3A_511 = arith.constant 0 : i32
    %dma_wait3A_512 = arith.constant 0 : i32
    %dma_wait3A_513 = tpu.memref_slice %arg6[%dma_wait3A_508, %dma_wait3A_511, %dma_wait3A_512] : memref<8x50x128xf32, #tpu.memory_space<vmem>> -> memref<1x50x128xf32, #tpu.memory_space<vmem>>
    %dma_wait3A_514 = tpu.memref_squeeze %dma_wait3A_513 : memref<1x50x128xf32, #tpu.memory_space<vmem>> -> memref<50x128xf32, #tpu.memory_space<vmem>>
    %dma_wait3A_515 = arith.constant 0 : i32
    %dma_wait3A_516 = arith.constant 0 : i32
    %dma_wait3A_517 = tpu.memref_slice %arg4[%dma_wait3A_509, %dma_wait3A_515, %dma_wait3A_516] : memref<4096x50x128xf32, #tpu.memory_space<hbm>> -> memref<1x50x128xf32, #tpu.memory_space<hbm>>
    %dma_wait3A_518 = tpu.memref_squeeze %dma_wait3A_517 : memref<1x50x128xf32, #tpu.memory_space<hbm>> -> memref<50x128xf32, #tpu.memory_space<hbm>>
    %dma_wait3A_519 = tpu.memref_slice %arg8[%dma_wait3A_510] : memref<8x!tpu.dma_semaphore, #tpu.memory_space<semaphore_mem>> -> memref<1x!tpu.dma_semaphore, #tpu.memory_space<semaphore_mem>>
    %dma_wait3A_520 = tpu.memref_squeeze %dma_wait3A_519 : memref<1x!tpu.dma_semaphore, #tpu.memory_space<semaphore_mem>> -> memref<!tpu.dma_semaphore, #tpu.memory_space<semaphore_mem>>
    %dma_wait3A_521 = arith.constant 0 : i32
    %dma_wait3A_522 = arith.constant 0 : i32
    %dma_wait3A_523 = tpu.memref_slice %arg4[%dma_wait3A_509, %dma_wait3A_521, %dma_wait3A_522] : memref<4096x50x128xf32, #tpu.memory_space<hbm>> -> memref<1x50x128xf32, #tpu.memory_space<hbm>>
    %dma_wait3A_524 = tpu.memref_squeeze %dma_wait3A_523 : memref<1x50x128xf32, #tpu.memory_space<hbm>> -> memref<50x128xf32, #tpu.memory_space<hbm>>
    %dma_wait3A_525 = arith.constant 0 : i32
    %dma_wait3A_526 = arith.constant 0 : i32
    %dma_wait3A_527 = tpu.memref_slice %arg6[%dma_wait3A_508, %dma_wait3A_525, %dma_wait3A_526] : memref<8x50x128xf32, #tpu.memory_space<vmem>> -> memref<1x50x128xf32, #tpu.memory_space<vmem>>
    %dma_wait3A_528 = tpu.memref_squeeze %dma_wait3A_527 : memref<1x50x128xf32, #tpu.memory_space<vmem>> -> memref<50x128xf32, #tpu.memory_space<vmem>>
    tpu.wait_dma2 semaphore(%dma_wait3A_520 : memref<!tpu.dma_semaphore, #tpu.memory_space<semaphore_mem>>) src(%dma_wait3A_528 : memref<50x128xf32, #tpu.memory_space<vmem>>) dst(%dma_wait3A_524 : memref<50x128xf32, #tpu.memory_space<hbm>>)
    %dma_wait3A_529 = arith.constant 5 : i32
    %dma_wait3A_530 = arith.constant 0 : i32
    %dma_wait3A_531 = arith.constant 5 : i32
    %dma_wait3A_532 = arith.constant 0 : i32
    %dma_wait3A_533 = arith.constant 0 : i32
    %dma_wait3A_534 = tpu.memref_slice %arg6[%dma_wait3A_529, %dma_wait3A_532, %dma_wait3A_533] : memref<8x50x128xf32, #tpu.memory_space<vmem>> -> memref<1x50x128xf32, #tpu.memory_space<vmem>>
    %dma_wait3A_535 = tpu.memref_squeeze %dma_wait3A_534 : memref<1x50x128xf32, #tpu.memory_space<vmem>> -> memref<50x128xf32, #tpu.memory_space<vmem>>
    %dma_wait3A_536 = arith.constant 0 : i32
    %dma_wait3A_537 = arith.constant 0 : i32
    %dma_wait3A_538 = tpu.memref_slice %arg4[%dma_wait3A_530, %dma_wait3A_536, %dma_wait3A_537] : memref<4096x50x128xf32, #tpu.memory_space<hbm>> -> memref<1x50x128xf32, #tpu.memory_space<hbm>>
    %dma_wait3A_539 = tpu.memref_squeeze %dma_wait3A_538 : memref<1x50x128xf32, #tpu.memory_space<hbm>> -> memref<50x128xf32, #tpu.memory_space<hbm>>
    %dma_wait3A_540 = tpu.memref_slice %arg8[%dma_wait3A_531] : memref<8x!tpu.dma_semaphore, #tpu.memory_space<semaphore_mem>> -> memref<1x!tpu.dma_semaphore, #tpu.memory_space<semaphore_mem>>
    %dma_wait3A_541 = tpu.memref_squeeze %dma_wait3A_540 : memref<1x!tpu.dma_semaphore, #tpu.memory_space<semaphore_mem>> -> memref<!tpu.dma_semaphore, #tpu.memory_space<semaphore_mem>>
    %dma_wait3A_542 = arith.constant 0 : i32
    %dma_wait3A_543 = arith.constant 0 : i32
    %dma_wait3A_544 = tpu.memref_slice %arg4[%dma_wait3A_530, %dma_wait3A_542, %dma_wait3A_543] : memref<4096x50x128xf32, #tpu.memory_space<hbm>> -> memref<1x50x128xf32, #tpu.memory_space<hbm>>
    %dma_wait3A_545 = tpu.memref_squeeze %dma_wait3A_544 : memref<1x50x128xf32, #tpu.memory_space<hbm>> -> memref<50x128xf32, #tpu.memory_space<hbm>>
    %dma_wait3A_546 = arith.constant 0 : i32
    %dma_wait3A_547 = arith.constant 0 : i32
    %dma_wait3A_548 = tpu.memref_slice %arg6[%dma_wait3A_529, %dma_wait3A_546, %dma_wait3A_547] : memref<8x50x128xf32, #tpu.memory_space<vmem>> -> memref<1x50x128xf32, #tpu.memory_space<vmem>>
    %dma_wait3A_549 = tpu.memref_squeeze %dma_wait3A_548 : memref<1x50x128xf32, #tpu.memory_space<vmem>> -> memref<50x128xf32, #tpu.memory_space<vmem>>
    tpu.wait_dma2 semaphore(%dma_wait3A_541 : memref<!tpu.dma_semaphore, #tpu.memory_space<semaphore_mem>>) src(%dma_wait3A_549 : memref<50x128xf32, #tpu.memory_space<vmem>>) dst(%dma_wait3A_545 : memref<50x128xf32, #tpu.memory_space<hbm>>)
    %dma_wait3A_550 = arith.constant 6 : i32
    %dma_wait3A_551 = arith.constant 0 : i32
    %dma_wait3A_552 = arith.constant 6 : i32
    %dma_wait3A_553 = arith.constant 0 : i32
    %dma_wait3A_554 = arith.constant 0 : i32
    %dma_wait3A_555 = tpu.memref_slice %arg6[%dma_wait3A_550, %dma_wait3A_553, %dma_wait3A_554] : memref<8x50x128xf32, #tpu.memory_space<vmem>> -> memref<1x50x128xf32, #tpu.memory_space<vmem>>
    %dma_wait3A_556 = tpu.memref_squeeze %dma_wait3A_555 : memref<1x50x128xf32, #tpu.memory_space<vmem>> -> memref<50x128xf32, #tpu.memory_space<vmem>>
    %dma_wait3A_557 = arith.constant 0 : i32
    %dma_wait3A_558 = arith.constant 0 : i32
    %dma_wait3A_559 = tpu.memref_slice %arg4[%dma_wait3A_551, %dma_wait3A_557, %dma_wait3A_558] : memref<4096x50x128xf32, #tpu.memory_space<hbm>> -> memref<1x50x128xf32, #tpu.memory_space<hbm>>
    %dma_wait3A_560 = tpu.memref_squeeze %dma_wait3A_559 : memref<1x50x128xf32, #tpu.memory_space<hbm>> -> memref<50x128xf32, #tpu.memory_space<hbm>>
    %dma_wait3A_561 = tpu.memref_slice %arg8[%dma_wait3A_552] : memref<8x!tpu.dma_semaphore, #tpu.memory_space<semaphore_mem>> -> memref<1x!tpu.dma_semaphore, #tpu.memory_space<semaphore_mem>>
    %dma_wait3A_562 = tpu.memref_squeeze %dma_wait3A_561 : memref<1x!tpu.dma_semaphore, #tpu.memory_space<semaphore_mem>> -> memref<!tpu.dma_semaphore, #tpu.memory_space<semaphore_mem>>
    %dma_wait3A_563 = arith.constant 0 : i32
    %dma_wait3A_564 = arith.constant 0 : i32
    %dma_wait3A_565 = tpu.memref_slice %arg4[%dma_wait3A_551, %dma_wait3A_563, %dma_wait3A_564] : memref<4096x50x128xf32, #tpu.memory_space<hbm>> -> memref<1x50x128xf32, #tpu.memory_space<hbm>>
    %dma_wait3A_566 = tpu.memref_squeeze %dma_wait3A_565 : memref<1x50x128xf32, #tpu.memory_space<hbm>> -> memref<50x128xf32, #tpu.memory_space<hbm>>
    %dma_wait3A_567 = arith.constant 0 : i32
    %dma_wait3A_568 = arith.constant 0 : i32
    %dma_wait3A_569 = tpu.memref_slice %arg6[%dma_wait3A_550, %dma_wait3A_567, %dma_wait3A_568] : memref<8x50x128xf32, #tpu.memory_space<vmem>> -> memref<1x50x128xf32, #tpu.memory_space<vmem>>
    %dma_wait3A_570 = tpu.memref_squeeze %dma_wait3A_569 : memref<1x50x128xf32, #tpu.memory_space<vmem>> -> memref<50x128xf32, #tpu.memory_space<vmem>>
    tpu.wait_dma2 semaphore(%dma_wait3A_562 : memref<!tpu.dma_semaphore, #tpu.memory_space<semaphore_mem>>) src(%dma_wait3A_570 : memref<50x128xf32, #tpu.memory_space<vmem>>) dst(%dma_wait3A_566 : memref<50x128xf32, #tpu.memory_space<hbm>>)
    %dma_wait3A_571 = arith.constant 7 : i32
    %dma_wait3A_572 = arith.constant 0 : i32
    %dma_wait3A_573 = arith.constant 7 : i32
    %dma_wait3A_574 = arith.constant 0 : i32
    %dma_wait3A_575 = arith.constant 0 : i32
    %dma_wait3A_576 = tpu.memref_slice %arg6[%dma_wait3A_571, %dma_wait3A_574, %dma_wait3A_575] : memref<8x50x128xf32, #tpu.memory_space<vmem>> -> memref<1x50x128xf32, #tpu.memory_space<vmem>>
    %dma_wait3A_577 = tpu.memref_squeeze %dma_wait3A_576 : memref<1x50x128xf32, #tpu.memory_space<vmem>> -> memref<50x128xf32, #tpu.memory_space<vmem>>
    %dma_wait3A_578 = arith.constant 0 : i32
    %dma_wait3A_579 = arith.constant 0 : i32
    %dma_wait3A_580 = tpu.memref_slice %arg4[%dma_wait3A_572, %dma_wait3A_578, %dma_wait3A_579] : memref<4096x50x128xf32, #tpu.memory_space<hbm>> -> memref<1x50x128xf32, #tpu.memory_space<hbm>>
    %dma_wait3A_581 = tpu.memref_squeeze %dma_wait3A_580 : memref<1x50x128xf32, #tpu.memory_space<hbm>> -> memref<50x128xf32, #tpu.memory_space<hbm>>
    %dma_wait3A_582 = tpu.memref_slice %arg8[%dma_wait3A_573] : memref<8x!tpu.dma_semaphore, #tpu.memory_space<semaphore_mem>> -> memref<1x!tpu.dma_semaphore, #tpu.memory_space<semaphore_mem>>
    %dma_wait3A_583 = tpu.memref_squeeze %dma_wait3A_582 : memref<1x!tpu.dma_semaphore, #tpu.memory_space<semaphore_mem>> -> memref<!tpu.dma_semaphore, #tpu.memory_space<semaphore_mem>>
    %dma_wait3A_584 = arith.constant 0 : i32
    %dma_wait3A_585 = arith.constant 0 : i32
    %dma_wait3A_586 = tpu.memref_slice %arg4[%dma_wait3A_572, %dma_wait3A_584, %dma_wait3A_585] : memref<4096x50x128xf32, #tpu.memory_space<hbm>> -> memref<1x50x128xf32, #tpu.memory_space<hbm>>
    %dma_wait3A_587 = tpu.memref_squeeze %dma_wait3A_586 : memref<1x50x128xf32, #tpu.memory_space<hbm>> -> memref<50x128xf32, #tpu.memory_space<hbm>>
    %dma_wait3A_588 = arith.constant 0 : i32
    %dma_wait3A_589 = arith.constant 0 : i32
    %dma_wait3A_590 = tpu.memref_slice %arg6[%dma_wait3A_571, %dma_wait3A_588, %dma_wait3A_589] : memref<8x50x128xf32, #tpu.memory_space<vmem>> -> memref<1x50x128xf32, #tpu.memory_space<vmem>>
    %dma_wait3A_591 = tpu.memref_squeeze %dma_wait3A_590 : memref<1x50x128xf32, #tpu.memory_space<vmem>> -> memref<50x128xf32, #tpu.memory_space<vmem>>
    tpu.wait_dma2 semaphore(%dma_wait3A_583 : memref<!tpu.dma_semaphore, #tpu.memory_space<semaphore_mem>>) src(%dma_wait3A_591 : memref<50x128xf32, #tpu.memory_space<vmem>>) dst(%dma_wait3A_587 : memref<50x128xf32, #tpu.memory_space<hbm>>)
    return
  }
}

</mosaic_0001>

<sc_bundles>
// kernel: kernel.3.cloned.1.call-start
scs
__scs_entry_jumppad:
0x0: {  	(pc) =	sbr.rel $0x88, $3  }
0x1: {  	(tag) =	ssettag $0x0;
	lr =	simm.s32 $0x1  }
0x2: {  	[smem:$0x3F9F] =	sst lr;
	_ =	strace $0xD0000000  }
0x3: {  	_ = 	snop  }
0x4: {  	_ = 	snop  }
0x5: {  	_ = 	snop  }
0x6: {  	_ = 	snop  }
0x7: {  	_ = 	snop  }
__scs_overlays_trampoline_lowered:
0x8: {  	[smem:$0x3FAE] =	sst s0  }
0x9: {  	[smem:$0x3FAF] =	sst s1  }
0xa: {  	[smem:$0x3FB0] =	sst s2  }
0xb: {  	[smem:$0x3FB1] =	sst s3  }
0xc: {  	[smem:$0x3FB2] =	sst s4  }
0xd: {  	[smem:$0x3FB3] =	sst s5  }
0xe: {  	[smem:$0x3FB4] =	sst s6  }
0xf: {  	[smem:$0x3FB5] =	sst s7  }
0x10: {  	[smem:$0x3FB6] =	sst s8  }
0x11: {  	[smem:$0x3FB7] =	sst s9;
	s0 =	simm.s32 @!p0 $0x0  }
0x12: {  	s1 =	sld [smem:$0x3F9D];
	s0 =	simm.s32 @p0 $0x1  }
0x13: {  	[smem:$0x3FB8] =	sst s0;
	s0 =	simm.s32 @!p1 $0x0  }
0x14: {  	s2 =	sld [smem:$0x3F9C];
	s0 =	simm.s32 @p1 $0x1  }
0x15: {  	[smem:$0x3FB9] =	sst s0;
	s0 =	simm.s32 @!p2 $0x0  }
0x16: {  	s3 =	sld [smem:$0x3FDB];
	s0 =	simm.s32 @p2 $0x1  }
0x17: {  	s4 =	simm.s32 $0x1BF5;
	[smem:$0x3FBB] =	sst s0  }
0x18: {  	s0 =	sld [smem:$0x3F9E];
	_ =	swait.ge [sflag:s4], $0x0  }
0x19: {  	s7 =	sld [smem:$0x3F9F]  }
0x1a: {  	s8 =	sadd.s32 $0xFFFFE003, lr  }
0x1b: {  	s9 =	sadd.s32 $0xFFFFFEF7, lr;
	s5 =	simm.s32 $0xFFFFFFFF;
	p2 =	slt.u32 s8, $0xFFFFF086  }
0x1c: {  	p1 =	slt.u32 s9, $0xF7A;
	s5 =	simm.s32 @!p2 $0x0  }
0x1d: {  	s5 =	simm.s32 @p1 $0x1;
	p0 =	seq.s32 s7, s2  }
0x1e: {  	s7 =	smul.u32 @!p0 $0xF7A, s2;
	p2 =	seq.s32 @!p0 s5, $0x0  }
0x1f: {  	s9 =	smul.u32 $0xF7A, s1;
	s8 =	simm.s32 @!p0 $0x1BF5;
	p2 =	por !p2, p0  }
0x20: {  	[sflag:s8] =	ssyncset.s32 @!p0 $0xFFFFF086;
	s6 =	sadd.s32 @!p0 s3, s7;
	s7 =	simm.s32 @!p0 $0x108  }
0x21: {  	s3 =	sadd.s32 s3, s9;
	s6 =	sadd.s32 @!p0 $0x88, s6;
	s7 =	simm.s32 @p2 $0x1082  }
0x22: {  	[simem:s7], [sflag:s8] =	dma.local @!p0 [hbm:s6], $0xF7A  }
0x23: {  	s9 =	sor.u32 $0xD0000000, s2;
	s6 =	simm.s32 $0x108;
	_ =	swait.ge @!p0 [sflag:s8], $0x0  }
0x24: {  	s3 =	sadd.s32 $0x88, s3;
	s6 =	simm.s32 @!p1 $0x1082;
	[sflag:s4] =	ssyncset.s32 $0xFFFFF086  }
0x25: {  	[simem:s6], [sflag:s4] =	dma.local [hbm:s3], $0xF7A  }
0x26: {  	[smem:$0x3F9F] =	sst s1;
	(tag) =	ssettag s2;
	_ =	strace s9  }
0x27: {  	s1 =	sld [smem:$0x3FAF]  }
0x28: {  	s2 =	sld [smem:$0x3FB0]  }
0x29: {  	s4 =	sld [smem:$0x3FB2]  }
0x2a: {  	p0 =	seq.s32 s5, $0x0;
	s5 =	sld [smem:$0x3FB3]  }
0x2b: {  	s6 =	sld [smem:$0x3FB4]  }
0x2c: {  	s7 =	sld [smem:$0x3FB5]  }
0x2d: {  	s3 =	simm.s32 $0x108;
	s8 =	sld [smem:$0x3FB6]  }
0x2e: {  	s3 =	simm.s32 @!p0 $0x1082;
	s9 =	sld [smem:$0x3FB7]  }
0x2f: {  	lr =	sadd.s32 s0, s3;
	s0 =	sld [smem:$0x3FAE]  }
0x30: {  	s3 =	sld [smem:$0x3FB1]  }
0x31: {  	[smem:$0x3FBA] =	sst s10  }
0x32: {  	s10 =	sld [smem:$0x3FB8];
	_ =	sdelay $0x3  }
0x33: {  	p0 =	seq.s32 s10, $0x1;
	s10 =	sld [smem:$0x3FBA];
	_ =	sdelay $0x3  }
0x34: {  	[smem:$0x3FBA] =	sst s10  }
0x35: {  	s10 =	sld [smem:$0x3FB9];
	_ =	sdelay $0x3  }
0x36: {  	p1 =	seq.s32 s10, $0x1;
	s10 =	sld [smem:$0x3FBA];
	_ =	sdelay $0x3  }
0x37: {  	[smem:$0x3FBA] =	sst s10  }
0x38: {  	s10 =	sld [smem:$0x3FBB]  }
0x39: {  	_ = 	snop;
	(pc) =	sbr.ind lr, $3  }
0x3a: {  	_ = 	snop  }
0x3b: {  	_ = 	snop  }
0x3c: {  	p2 =	seq.s32 s10, $0x1;
	s10 =	sld [smem:$0x3FBA]  }
0x3d: {  	_ =	shalt  }
0x3e: {  	_ =	shalt  }
0x3f: {  	_ =	shalt  }
0x40: {  	_ =	shalt  }
0x41: {  	_ =	shalt  }
0x42: {  	_ =	shalt  }
0x43: {  	_ =	shalt  }
0x44: {  	_ =	shalt  }
0x45: {  	_ =	shalt  }
0x46: {  	_ =	shalt  }
0x47: {  	_ =	shalt  }
0x48: {  	_ =	shalt  }
0x49: {  	_ =	shalt  }
0x4a: {  	_ =	shalt  }
0x4b: {  	_ =	shalt  }
0x4c: {  	_ =	shalt  }
0x4d: {  	_ =	shalt  }
0x4e: {  	_ =	shalt  }
0x4f: {  	_ =	shalt  }
0x50: {  	_ =	shalt  }
0x51: {  	_ =	shalt  }
0x52: {  	_ =	shalt  }
0x53: {  	_ =	shalt  }
0x54: {  	_ =	shalt  }
0x55: {  	_ =	shalt  }
0x56: {  	_ =	shalt  }
0x57: {  	_ =	shalt  }
0x58: {  	_ =	shalt  }
0x59: {  	_ =	shalt  }
0x5a: {  	_ =	shalt  }
0x5b: {  	_ =	shalt  }
0x5c: {  	_ =	shalt  }
0x5d: {  	_ =	shalt  }
0x5e: {  	_ =	shalt  }
0x5f: {  	_ =	shalt  }
0x60: {  	_ =	shalt  }
0x61: {  	_ =	shalt  }
0x62: {  	_ =	shalt  }
0x63: {  	_ =	shalt  }
0x64: {  	_ =	shalt  }
0x65: {  	_ =	shalt  }
0x66: {  	_ =	shalt  }
0x67: {  	_ =	shalt  }
0x68: {  	_ =	shalt  }
0x69: {  	_ =	shalt  }
0x6a: {  	_ =	shalt  }
0x6b: {  	_ =	shalt  }
0x6c: {  	_ =	shalt  }
0x6d: {  	_ =	shalt  }
0x6e: {  	_ =	shalt  }
0x6f: {  	_ =	shalt  }
0x70: {  	_ =	shalt  }
0x71: {  	_ =	shalt  }
0x72: {  	_ =	shalt  }
0x73: {  	_ =	shalt  }
0x74: {  	_ =	shalt  }
0x75: {  	_ =	shalt  }
0x76: {  	_ =	shalt  }
0x77: {  	_ =	shalt  }
0x78: {  	_ =	shalt  }
0x79: {  	_ =	shalt  }
0x7a: {  	_ =	shalt  }
0x7b: {  	_ =	shalt  }
0x7c: {  	_ =	shalt  }
0x7d: {  	_ =	shalt  }
0x7e: {  	_ =	shalt  }
0x7f: {  	_ =	shalt  }
0x80: {  	_ =	shalt  }
0x81: {  	_ =	shalt  }
0x82: {  	_ =	shalt  }
0x83: {  	_ =	shalt  }
0x84: {  	_ =	shalt  }
0x85: {  	_ =	shalt  }
0x86: {  	_ =	shalt  }
0x87: {  	_ =	shalt  }
.Lfunc_end0:
.L_simem_size_0:
called_computation_lowered:
.L_overlay_start_0:
0x88: {  	s2 =	sld [smem:$0x3FD9]  }
0x89: {  	s3 =	sld [smem:$0x3FFE];
	_ =	sdelay $0x1  }
0x8a: {  	s1 =	srdreg.scid  }
0x8b: {  	s0 =	sand.u32 $0x1, s1  }
0x8c: {  	s17 =	sshll.u32 s0, $0xA;
	s2 =	sadd.s32 s3, s2  }
0x8d: {  	s2 =	sadd.s32 s2, s17  }
0x8e: {  	[smem:$0x3FC6] =	sst s2  }
0x8f: {  	_ = 	snop  }
0x90: {  	s2 =	sld [smem:$0x3FC8]  }
0x91: {  	s18 =	sld [smem:$0x3FD0];
	(tm) =	ssettm $0x1  }
0x92: {  	s4 =	sld [smem:$0x3FFB];
	_ =	sdelay $0x3  }
0x93: {  	_ =	strace s4  }
0x94: {  	s4 =	sld [smem:$0x3FFC];
	_ =	sdelay $0x3  }
0x95: {  	_ =	strace s4  }
0x96: {  	s4 =	sld [smem:$0x3FFD];
	_ =	sdelay $0x3  }
0x97: {  	_ =	strace s4  }
0x98: {  	_ =	strace $0x8FFFFFFF  }
0x99: {  	s19 =	sld [smem:$0x3FDB];
	_ =	sdelay $0x1  }
0x9a: {  	s5 =	simm.s32 $_scs_section_size  }
0x9b: {  	s6 =	simm.s32 $_size__tile_overlayer_lowered;
	s7 =	simm.s32 $_tile_overlayer_lowered  }
0x9c: {  	s22 =	simm.s32 $0x1BFF;
	s21 =	sshll.u32 s7, $0x1;
	s4 =	sadd.s32 s5, s19  }
0x9d: {  	s8 =	simm.s32 $0x0;
	s20 =	sshll.u32 s6, $0x1;
	s6 =	sadd.s32 s21, s4  }
0x9e: {  	[timem:s8], [sflag:s22] =	dma.local [hbm:s6], s20  }
0x9f: {  	_ =	swait.ge [sflag:s22], s20  }
0xa0: {  	s5 =	ssub.s32 $0x0, s20;
	[sflag:s22] =	ssyncset.done $0x0  }
0xa1: {  	[sflag:s22] =	ssyncadd.s32 s5;
	_ =	sdelay $0x1  }
0xa2: {  	s23 =	simm.s32 $0x1B8B  }
0xa3: {  	_ =	swait.ge [sflag:s23], $0x1  }
0xa4: {  	[sflag:s23] =	ssyncset.done $0x0  }
0xa5: {  	s25 =	simm.s32 $0x1B8E;
	s24 =	sld [smem:$0x3FFE];
	[sflag:s23] =	ssyncadd.s32 $0xFFFFFFFF  }
0xa6: {  	s26 =	simm.s32 $execute0_lowered;
	[smem:$0x3FD2] =	sst s25  }
0xa7: {  	s6 =	sshll.u32 s26, $0x1;
	_ =	strace $0x80000046;
	[dreg:$0x1] =	wrdreg $0xFFFFFFFF  }
0xa8: {  	s28 =	simm.s32 $_size_execute0_lowered;
	s4 =	sadd.s32 s4, s6;
	[dreg:$0x0] =	wrdreg $0x0  }
0xa9: {  	s6 =	sshll.u32 s28, $0x1;
	[dreg:$0x2] =	wrdreg s4  }
0xaa: {  	[dreg:$0x3] =	wrdreg s6  }
0xab: {  	[dreg:$0x4] =	wrdreg $0xC0  }
0xac: {  	_ =	task [dreg:s8], $0x5FFFF  }
0xad: {  	[dreg:$0x1] =	wrdreg $0xFFFFFFFF  }
0xae: {  	[dreg:$0x0] =	wrdreg $0x60  }
0xaf: {  	[dreg:$0x2] =	wrdreg s2  }
0xb0: {  	[dreg:$0x3] =	wrdreg s18  }
0xb1: {  	[dreg:$0x4] =	wrdreg s24  }
0xb2: {  	[dreg:$0x5] =	wrdreg $0x9  }
0xb3: {  	_ =	task.clear_ibuf [dreg:s8], $0x6FFFF;
	_ =	strace $0x90000046  }
0xb4: {  	s29 =	simm.s32 $0x9;
	_ =	strace $0x80000048  }
0xb5: {  	_ =	swait.ge [sflag:s29], $0x1  }
0xb6: {  	[sflag:s29] =	ssyncadd.s32 $0xFFFFFFFF  }
0xb7: {  	_ =	strace $0x90000048  }
0xb8: {  	_ =	sfence  }
0xb9: {  	s30 =	sld [smem:$0x0];
	_ =	sdelay $0x2  }
0xba: {  	s31 =	sshll.u32 s1, $0xD;
	s1 =	sshrl.u32 s1, $0x2  }
0xbb: {  	s3 =	sand.u32 $0x4000, s31;
	s1 =	sadd.s32 s1, s30  }
0xbc: {  	s0 =	sor.u32 s3, s0;
	s1 =	sshll.u32 s1, $0x11  }
0xbd: {  	s0 =	sor.u32 s1, s0  }
0xbe: {  	s0 =	sadd.s32 $0x8F2B, s0  }
0xbf: {  	[sflag:s0] =	ssyncadd.remote.s32 $0x1  }
0xc0: {  	_ =	sfence.sel $0xFFFF  }
0xc1: {  	[dreg:$0x0] =	wrdreg $0xFFFFFFFF;
	(pc) =	sbr.abs _section_cstart, $3  }
0xc2: {  	[dreg:$0x1] =	wrdreg $0xFFFFFFFF  }
0xc3: {  	_ =	task.clear_ibuf [dreg:s8], $0x2FFFF;
	_ =	strace $0x9FFFFFFF  }
0xc4: {  	(tm) =	ssettm $0x7FFFFFFF  }
0xc5: {  	_ =	shalt  }
tec
execute0_lowered:
.L_overlay_start_1:
0x0: {  	(tag) =	ssettag $0x1  }
0x1: {  	s1 =	rddreg [dreg:$0x0];
	s0 =	srdreg.scid  }
0x2: {  	s2 =	rddreg [dreg:$0x1];
	s10 =	stileid.u32  }
0x3: {  	s4 =	rddreg [dreg:$0x2];
	s3 =	simm.s32 $0x0;
	s16 =	simm.s32 $0x32  }
0x4: {  	s28 =	simm.s32 $0xCC00;
	s30 =	simm.s32 $0xE800;
	s31 =	simm.s32 $0x1  }
0x5: {  	s29 =	simm.s32 $0xB;
	s11 =	simm.s32 $0xF;
	s13 =	simm.s32 $0x0  }
0x6: {  	s0 =	sand.u32 $0x1, s0;
	s5 =	sshll.u32 s10, $0x8;
	[smem:$0x7FF] =	sst s3  }
0x7: {  	s4 =	sadd.s32 $0x400, s4;
	s20 =	smul.u32 $0x38000, s10;
	s6 =	sshll.u32 s0, $0x7  }
0x8: {  	s17 =	ssub.s32 $0x2, s0;
	s0 =	smul.u32 $0x1C000, s0;
	s5 =	sor.u32 s6, s5  }
0x9: {  	s10 =	simm.s32 $0x8;
	s8 =	sshrl.u32 s17, $0x1;
	s7 =	smul.u32 $0x380, s5  }
0xa: {  	_ =	strace $0x80000047;
	s9 =	smul.u32 $0x1C00, s5;
	s6 =	ssub.s32 s17, s8  }
0xb: {  	s5 =	sshll.u32 s5, $0x4;
	s17 =	simm.s32 $0x4000;
	s8 =	simm.s32 $0x7  }
0xc: {  	s2 =	sadd.s32 s2, s5;
	s26 =	smax.u32 s6, $0x1;
	s6 =	simm.s32 $0x6  }
0xd: {  	[dreg:$0x4] =	wrdreg s2;
	s18 =	sadd.s32 s4, s7;
	s19 =	sshrl.u32 s9, $0x3  }
0xe: {  	[dreg:$0xd] =	wrdreg s26;
	s26 =	simm.s32 $0x4;
	s7 =	simm.s32 $0xD  }
0xf: {  	[dreg:$0x5] =	wrdreg s18;
	s5 =	sadd.s32 $0x380, s18;
	s2 =	sadd.s32 s4, s19  }
0x10: {  	s9 =	simm.s32 $0xE;
	[dreg:$0x6] =	wrdreg s5;
	s21 =	sadd.s32 $0x1AB00, s2  }
0x11: {  	s4 =	sadd.s32 s20, s4;
	s22 =	sadd.s32 $0x1AE80, s2;
	[dreg:$0x7] =	wrdreg s21  }
0x12: {  	s19 =	simm.s32 $0x5C00;
	s23 =	sadd.s32 $0x1B200, s2;
	[dreg:$0x8] =	wrdreg s22  }
0x13: {  	s18 =	simm.s32 $0x2;
	s24 =	sadd.s32 $0x1B580, s2;
	[dreg:$0x9] =	wrdreg s23  }
0x14: {  	s20 =	simm.s32 $0x9;
	s25 =	sadd.s32 $0x1B900, s2;
	[dreg:$0xa] =	wrdreg s24  }
0x15: {  	s2 =	sadd.s32 $0x1BC80, s2;
	s0 =	sadd.s32 s0, s4;
	[dreg:$0xb] =	wrdreg s25  }
0x16: {  	s4 =	simm.s32 $0xC;
	s5 =	simm.s32 $0x10;
	[dreg:$0xc] =	wrdreg s2  }
0x17: {  	s0 =	sadd.s32 $0x1180, s0;
	s21 =	simm.s32 $0x7800;
	s23 =	simm.s32 $0x9400  }
0x18: {  	s25 =	simm.s32 $0xB000;
	s22 =	simm.s32 $0x3;
	s24 =	simm.s32 $0xA  }
0x19: {  	s2 =	simm.s32 $0x5;
	[dreg:$0xe] =	wrdreg s0;
	s0 =	simm.s32 $0x10400  }
.LBB2_1:
0x1a: {  	[dreg:$0xf] =	wrdreg s13  }
0x1b: {  	s12 =	rddreg [dreg:$0x4];
	s13 =	simm.s32 $0x11  }
0x1c: {  	[tilespmem:s3], [sflag:$0x11] =	stream.linear.gather [hbm4b:s12+s3], $0x4000, $0x38;
	[tilespmem:$0x12000] =	vst v63  }
0x1d: {  	_ =	swait.ge [sflag:s13], $0x4000  }
0x1e: {  	[sflag:s13] =	ssyncset.done $0x0  }
0x1f: {  	[sflag:s13] =	ssyncadd.s32 $0xFFFFC000  }
0x20: {  	[tilespmem:s17], [sflag:$0x1] =	stream.indirect.gather [hbm4b:s1+s16], $0x80, s3, s16, $0xb8;
	[tilespmem:$0x12000] =	vst v63  }
0x21: {  	s14 =	simm.s32 $0x80  }
0x22: {  	[tilespmem:s19], [sflag:$0x2] =	stream.indirect.gather [hbm4b:s1+s16], $0x80, s14, s16, $0xb8;
	[tilespmem:$0x12000] =	vst v63  }
0x23: {  	s15 =	simm.s32 $0x100  }
0x24: {  	[tilespmem:s21], [sflag:$0x3] =	stream.indirect.gather [hbm4b:s1+s16], $0x80, s15, s16, $0xb8;
	[tilespmem:$0x12000] =	vst v63  }
0x25: {  	s13 =	simm.s32 $0x180  }
0x26: {  	[tilespmem:s23], [sflag:$0x4] =	stream.indirect.gather [hbm4b:s1+s16], $0x80, s13, s16, $0xb8;
	[tilespmem:$0x12000] =	vst v63  }
0x27: {  	s14 =	simm.s32 $0x200  }
0x28: {  	[tilespmem:s25], [sflag:$0x5] =	stream.indirect.gather [hbm4b:s1+s16], $0x80, s14, s16, $0xb8;
	[tilespmem:$0x12000] =	vst v63  }
0x29: {  	s15 =	simm.s32 $0x280  }
0x2a: {  	[tilespmem:s28], [sflag:$0x6] =	stream.indirect.gather [hbm4b:s1+s16], $0x80, s15, s16, $0xb8;
	[tilespmem:$0x12000] =	vst v63  }
0x2b: {  	s13 =	simm.s32 $0x300  }
0x2c: {  	[tilespmem:s30], [sflag:$0x7] =	stream.indirect.gather [hbm4b:s1+s16], $0x80, s13, s16, $0xb8;
	[tilespmem:$0x12000] =	vst v63  }
0x2d: {  	_ =	swait.ge [sflag:s31], $0x1900  }
0x2e: {  	[sflag:s31] =	ssyncset.done $0x0  }
0x2f: {  	s14 =	rddreg [dreg:$0x5];
	[sflag:s31] =	ssyncadd.s32 $0xFFFFE700  }
0x30: {  	[hbm4b:s14+s3] =	stream.linear.scatter [tilespmem:s17], [sflag:$0x9], $0x1900, $0x38;
	[tilespmem:$0x12000] =	vst v63  }
0x31: {  	s15 =	simm.s32 $0x380  }
0x32: {  	[tilespmem:s0], [sflag:$0x8] =	stream.indirect.gather [hbm4b:s1+s16], $0x80, s15, s16, $0xb8;
	[tilespmem:$0x12000] =	vst v63  }
0x33: {  	_ =	swait.ge [sflag:s18], $0x1900  }
0x34: {  	[sflag:s18] =	ssyncset.done $0x0  }
0x35: {  	s13 =	rddreg [dreg:$0x6];
	[sflag:s18] =	ssyncadd.s32 $0xFFFFE700  }
0x36: {  	[hbm4b:s13+s3] =	stream.linear.scatter [tilespmem:s19], [sflag:$0xA], $0x1900, $0x38;
	[tilespmem:$0x12000] =	vst v63  }
0x37: {  	_ =	swait.ge [sflag:s20], $0x1900  }
0x38: {  	[sflag:s20] =	ssyncset.done $0x0  }
0x39: {  	s14 =	simm.s32 $0x400;
	[sflag:s20] =	ssyncadd.s32 $0xFFFFE700  }
0x3a: {  	[tilespmem:s17], [sflag:$0x1] =	stream.indirect.gather [hbm4b:s1+s16], $0x80, s14, s16, $0xb8;
	[tilespmem:$0x12000] =	vst v63  }
0x3b: {  	_ =	swait.ge [sflag:s22], $0x1900  }
0x3c: {  	[sflag:s22] =	ssyncset.done $0x0;
	s14 =	rddreg [dreg:$0xe]  }
0x3d: {  	[sflag:s22] =	ssyncadd.s32 $0xFFFFE700;
	s15 =	sadd.s32 $0xFFFFF580, s14  }
0x3e: {  	[hbm4b:s15+s3] =	stream.linear.scatter [tilespmem:s21], [sflag:$0xB], $0x1900, $0x38;
	[tilespmem:$0x12000] =	vst v63  }
0x3f: {  	_ =	swait.ge [sflag:s24], $0x1900  }
0x40: {  	[sflag:s24] =	ssyncset.done $0x0  }
0x41: {  	s13 =	simm.s32 $0x480;
	[sflag:s24] =	ssyncadd.s32 $0xFFFFE700  }
0x42: {  	[tilespmem:s19], [sflag:$0x2] =	stream.indirect.gather [hbm4b:s1+s16], $0x80, s13, s16, $0xb8;
	[tilespmem:$0x12000] =	vst v63  }
0x43: {  	_ =	swait.ge [sflag:s26], $0x1900  }
0x44: {  	[sflag:s26] =	ssyncset.done $0x0  }
0x45: {  	s15 =	sadd.s32 $0xFFFFF900, s14;
	[sflag:s26] =	ssyncadd.s32 $0xFFFFE700  }
0x46: {  	[hbm4b:s15+s3] =	stream.linear.scatter [tilespmem:s23], [sflag:$0xC], $0x1900, $0x38;
	[tilespmem:$0x12000] =	vst v63  }
0x47: {  	_ =	swait.ge [sflag:s29], $0x1900  }
0x48: {  	[sflag:s29] =	ssyncset.done $0x0  }
0x49: {  	s13 =	simm.s32 $0x500;
	[sflag:s29] =	ssyncadd.s32 $0xFFFFE700  }
0x4a: {  	[tilespmem:s21], [sflag:$0x3] =	stream.indirect.gather [hbm4b:s1+s16], $0x80, s13, s16, $0xb8;
	[tilespmem:$0x12000] =	vst v63  }
0x4b: {  	_ =	swait.ge [sflag:s2], $0x1900  }
0x4c: {  	[sflag:s2] =	ssyncset.done $0x0  }
0x4d: {  	s15 =	sadd.s32 $0xFFFFFC80, s14;
	[sflag:s2] =	ssyncadd.s32 $0xFFFFE700  }
0x4e: {  	[hbm4b:s15+s3] =	stream.linear.scatter [tilespmem:s25], [sflag:$0xD], $0x1900, $0x38;
	[tilespmem:$0x12000] =	vst v63  }
0x4f: {  	_ =	swait.ge [sflag:s4], $0x1900  }
0x50: {  	[sflag:s4] =	ssyncset.done $0x0  }
0x51: {  	s13 =	simm.s32 $0x580;
	[sflag:s4] =	ssyncadd.s32 $0xFFFFE700  }
0x52: {  	[tilespmem:s23], [sflag:$0x4] =	stream.indirect.gather [hbm4b:s1+s16], $0x80, s13, s16, $0xb8;
	[tilespmem:$0x12000] =	vst v63  }
0x53: {  	_ =	swait.ge [sflag:s6], $0x1900  }
0x54: {  	[sflag:s6] =	ssyncset.done $0x0  }
0x55: {  	[sflag:s6] =	ssyncadd.s32 $0xFFFFE700  }
0x56: {  	[hbm4b:s14+s3] =	stream.linear.scatter [tilespmem:s28], [sflag:$0xE], $0x1900, $0x38;
	[tilespmem:$0x12000] =	vst v63  }
0x57: {  	_ =	swait.ge [sflag:s7], $0x1900  }
0x58: {  	[sflag:s7] =	ssyncset.done $0x0  }
0x59: {  	s15 =	simm.s32 $0x600;
	[sflag:s7] =	ssyncadd.s32 $0xFFFFE700  }
0x5a: {  	[tilespmem:s25], [sflag:$0x5] =	stream.indirect.gather [hbm4b:s1+s16], $0x80, s15, s16, $0xb8;
	[tilespmem:$0x12000] =	vst v63  }
0x5b: {  	_ =	swait.ge [sflag:s8], $0x1900  }
0x5c: {  	[sflag:s8] =	ssyncset.done $0x0  }
0x5d: {  	s13 =	sadd.s32 $0x380, s14;
	[sflag:s8] =	ssyncadd.s32 $0xFFFFE700  }
0x5e: {  	[hbm4b:s13+s3] =	stream.linear.scatter [tilespmem:s30], [sflag:$0xF], $0x1900, $0x38;
	[tilespmem:$0x12000] =	vst v63  }
0x5f: {  	_ =	swait.ge [sflag:s9], $0x1900  }
0x60: {  	[sflag:s9] =	ssyncset.done $0x0  }
0x61: {  	s15 =	simm.s32 $0x680;
	[sflag:s9] =	ssyncadd.s32 $0xFFFFE700  }
0x62: {  	[tilespmem:s28], [sflag:$0x6] =	stream.indirect.gather [hbm4b:s1+s16], $0x80, s15, s16, $0xb8;
	[tilespmem:$0x12000] =	vst v63  }
0x63: {  	_ =	swait.ge [sflag:s10], $0x1900  }
0x64: {  	[sflag:s10] =	ssyncset.done $0x0  }
0x65: {  	s13 =	sadd.s32 $0x700, s14;
	[sflag:s10] =	ssyncadd.s32 $0xFFFFE700  }
0x66: {  	[hbm4b:s13+s3] =	stream.linear.scatter [tilespmem:s0], [sflag:$0x10], $0x1900, $0x38;
	[tilespmem:$0x12000] =	vst v63  }
0x67: {  	_ =	swait.ge [sflag:s11], $0x1900  }
0x68: {  	[sflag:s11] =	ssyncset.done $0x0  }
0x69: {  	s15 =	simm.s32 $0x700;
	[sflag:s11] =	ssyncadd.s32 $0xFFFFE700  }
0x6a: {  	[tilespmem:s30], [sflag:$0x7] =	stream.indirect.gather [hbm4b:s1+s16], $0x80, s15, s16, $0xb8;
	[tilespmem:$0x12000] =	vst v63  }
0x6b: {  	_ =	swait.ge [sflag:s31], $0x1900  }
0x6c: {  	[sflag:s31] =	ssyncset.done $0x0  }
0x6d: {  	s13 =	sadd.s32 $0xA80, s14;
	[sflag:s31] =	ssyncadd.s32 $0xFFFFE700  }
0x6e: {  	[hbm4b:s13+s3] =	stream.linear.scatter [tilespmem:s17], [sflag:$0x9], $0x1900, $0x38;
	[tilespmem:$0x12000] =	vst v63  }
0x6f: {  	_ =	swait.ge [sflag:s5], $0x1900  }
0x70: {  	[sflag:s5] =	ssyncset.done $0x0  }
0x71: {  	s15 =	simm.s32 $0x780;
	[sflag:s5] =	ssyncadd.s32 $0xFFFFE700  }
0x72: {  	[tilespmem:s0], [sflag:$0x8] =	stream.indirect.gather [hbm4b:s1+s16], $0x80, s15, s16, $0xb8;
	[tilespmem:$0x12000] =	vst v63  }
0x73: {  	_ =	swait.ge [sflag:s18], $0x1900  }
0x74: {  	s12 =	sadd.s32 $0xE00, s14;
	[sflag:s18] =	ssyncset.done $0x0  }
0x75: {  	s13 =	simm.s32 $0x1000;
	s15 =	sadd.s32 $0x1C00, s14;
	[sflag:s18] =	ssyncadd.s32 $0xFFFFE700  }
.LBB2_2:
0x76: {  	[hbm4b:s12+s3] =	stream.linear.scatter [tilespmem:s19], [sflag:$0xA], $0x1900, $0x38;
	[tilespmem:$0x12000] =	vst v63  }
0x77: {  	s12 =	smov.u32 s13  }
0x78: {  	p0 =	sne.s32 s13, $0xE000;
	s13 =	sadd.s32 $0x1000, s13;
	_ =	swait.ge [sflag:s20], $0x1900  }
0x79: {  	s12 =	sshra.s32 s12, $0x2;
	[sflag:s20] =	ssyncset.done $0x0  }
0x7a: {  	s14 =	sadd.s32 $0x400, s12;
	[sflag:s20] =	ssyncadd.s32 $0xFFFFE700  }
0x7b: {  	[tilespmem:s17], [sflag:$0x1] =	stream.indirect.gather [hbm4b:s1+s16], $0x80, s14, s16, $0xb8;
	[tilespmem:$0x12000] =	vst v63  }
0x7c: {  	_ =	swait.ge [sflag:s22], $0x1900  }
0x7d: {  	[sflag:s22] =	ssyncset.done $0x0  }
0x7e: {  	s14 =	sadd.s32 $0xFFFFF580, s15;
	[sflag:s22] =	ssyncadd.s32 $0xFFFFE700  }
0x7f: {  	[hbm4b:s14+s3] =	stream.linear.scatter [tilespmem:s21], [sflag:$0xB], $0x1900, $0x38;
	[tilespmem:$0x12000] =	vst v63  }
0x80: {  	_ =	swait.ge [sflag:s24], $0x1900  }
0x81: {  	[sflag:s24] =	ssyncset.done $0x0  }
0x82: {  	s14 =	sadd.s32 $0x480, s12;
	[sflag:s24] =	ssyncadd.s32 $0xFFFFE700  }
0x83: {  	[tilespmem:s19], [sflag:$0x2] =	stream.indirect.gather [hbm4b:s1+s16], $0x80, s14, s16, $0xb8;
	[tilespmem:$0x12000] =	vst v63  }
0x84: {  	_ =	swait.ge [sflag:s26], $0x1900  }
0x85: {  	[sflag:s26] =	ssyncset.done $0x0  }
0x86: {  	s14 =	sadd.s32 $0xFFFFF900, s15;
	[sflag:s26] =	ssyncadd.s32 $0xFFFFE700  }
0x87: {  	[hbm4b:s14+s3] =	stream.linear.scatter [tilespmem:s23], [sflag:$0xC], $0x1900, $0x38;
	[tilespmem:$0x12000] =	vst v63  }
0x88: {  	_ =	swait.ge [sflag:s29], $0x1900  }
0x89: {  	[sflag:s29] =	ssyncset.done $0x0  }
0x8a: {  	s14 =	sadd.s32 $0x500, s12;
	[sflag:s29] =	ssyncadd.s32 $0xFFFFE700  }
0x8b: {  	[tilespmem:s21], [sflag:$0x3] =	stream.indirect.gather [hbm4b:s1+s16], $0x80, s14, s16, $0xb8;
	[tilespmem:$0x12000] =	vst v63  }
0x8c: {  	_ =	swait.ge [sflag:s2], $0x1900  }
0x8d: {  	[sflag:s2] =	ssyncset.done $0x0  }
0x8e: {  	s14 =	sadd.s32 $0xFFFFFC80, s15;
	[sflag:s2] =	ssyncadd.s32 $0xFFFFE700  }
0x8f: {  	[hbm4b:s14+s3] =	stream.linear.scatter [tilespmem:s25], [sflag:$0xD], $0x1900, $0x38;
	[tilespmem:$0x12000] =	vst v63  }
0x90: {  	_ =	swait.ge [sflag:s4], $0x1900  }
0x91: {  	[sflag:s4] =	ssyncset.done $0x0  }
0x92: {  	s14 =	sadd.s32 $0x580, s12;
	[sflag:s4] =	ssyncadd.s32 $0xFFFFE700  }
0x93: {  	[tilespmem:s23], [sflag:$0x4] =	stream.indirect.gather [hbm4b:s1+s16], $0x80, s14, s16, $0xb8;
	[tilespmem:$0x12000] =	vst v63  }
0x94: {  	_ =	swait.ge [sflag:s6], $0x1900  }
0x95: {  	[sflag:s6] =	ssyncset.done $0x0  }
0x96: {  	[sflag:s6] =	ssyncadd.s32 $0xFFFFE700  }
0x97: {  	[hbm4b:s15+s3] =	stream.linear.scatter [tilespmem:s28], [sflag:$0xE], $0x1900, $0x38;
	[tilespmem:$0x12000] =	vst v63  }
0x98: {  	_ =	swait.ge [sflag:s7], $0x1900  }
0x99: {  	[sflag:s7] =	ssyncset.done $0x0  }
0x9a: {  	s14 =	sadd.s32 $0x600, s12;
	[sflag:s7] =	ssyncadd.s32 $0xFFFFE700  }
0x9b: {  	[tilespmem:s25], [sflag:$0x5] =	stream.indirect.gather [hbm4b:s1+s16], $0x80, s14, s16, $0xb8;
	[tilespmem:$0x12000] =	vst v63  }
0x9c: {  	_ =	swait.ge [sflag:s8], $0x1900  }
0x9d: {  	[sflag:s8] =	ssyncset.done $0x0  }
0x9e: {  	s14 =	sadd.s32 $0x380, s15;
	[sflag:s8] =	ssyncadd.s32 $0xFFFFE700  }
0x9f: {  	[hbm4b:s14+s3] =	stream.linear.scatter [tilespmem:s30], [sflag:$0xF], $0x1900, $0x38;
	[tilespmem:$0x12000] =	vst v63  }
0xa0: {  	_ =	swait.ge [sflag:s9], $0x1900  }
0xa1: {  	[sflag:s9] =	ssyncset.done $0x0  }
0xa2: {  	s14 =	sadd.s32 $0x680, s12;
	[sflag:s9] =	ssyncadd.s32 $0xFFFFE700  }
0xa3: {  	[tilespmem:s28], [sflag:$0x6] =	stream.indirect.gather [hbm4b:s1+s16], $0x80, s14, s16, $0xb8;
	[tilespmem:$0x12000] =	vst v63  }
0xa4: {  	_ =	swait.ge [sflag:s10], $0x1900  }
0xa5: {  	[sflag:s10] =	ssyncset.done $0x0  }
0xa6: {  	s14 =	sadd.s32 $0x700, s15;
	[sflag:s10] =	ssyncadd.s32 $0xFFFFE700  }
0xa7: {  	[hbm4b:s14+s3] =	stream.linear.scatter [tilespmem:s0], [sflag:$0x10], $0x1900, $0x38;
	[tilespmem:$0x12000] =	vst v63  }
0xa8: {  	_ =	swait.ge [sflag:s11], $0x1900  }
0xa9: {  	[sflag:s11] =	ssyncset.done $0x0  }
0xaa: {  	s14 =	sadd.s32 $0x700, s12;
	[sflag:s11] =	ssyncadd.s32 $0xFFFFE700  }
0xab: {  	[tilespmem:s30], [sflag:$0x7] =	stream.indirect.gather [hbm4b:s1+s16], $0x80, s14, s16, $0xb8;
	[tilespmem:$0x12000] =	vst v63  }
0xac: {  	_ =	swait.ge [sflag:s31], $0x1900  }
0xad: {  	[sflag:s31] =	ssyncset.done $0x0  }
0xae: {  	s14 =	sadd.s32 $0xA80, s15;
	[sflag:s31] =	ssyncadd.s32 $0xFFFFE700  }
0xaf: {  	[hbm4b:s14+s3] =	stream.linear.scatter [tilespmem:s17], [sflag:$0x9], $0x1900, $0x38;
	[tilespmem:$0x12000] =	vst v63  }
0xb0: {  	_ =	swait.ge [sflag:s5], $0x1900  }
0xb1: {  	[sflag:s5] =	ssyncset.done $0x0  }
.Ltmp0:
0xb2: {  	s12 =	sadd.s32 $0x780, s12;
	[sflag:s5] =	ssyncadd.s32 $0xFFFFE700;
	(pc) =	sbr.rel @p0 .LBB2_2-.Ltmp0, $4  }
0xb3: {  	[tilespmem:s0], [sflag:$0x8] =	stream.indirect.gather [hbm4b:s1+s16], $0x80, s12, s16, $0xb8;
	[tilespmem:$0x12000] =	vst v63  }
0xb4: {  	_ =	swait.ge [sflag:s18], $0x1900  }
0xb5: {  	[sflag:s18] =	ssyncset.done $0x0  }
0xb6: {  	s12 =	sadd.s32 $0xE00, s15;
	s15 =	sadd.s32 $0x1C00, s15;
	[sflag:s18] =	ssyncadd.s32 $0xFFFFE700  }
0xb7: {  	[hbm4b:s12+s3] =	stream.linear.scatter [tilespmem:s19], [sflag:$0xA], $0x1900, $0x38;
	[tilespmem:$0x12000] =	vst v63  }
0xb8: {  	_ =	swait.ge [sflag:s22], $0x1900  }
0xb9: {  	[sflag:s22] =	ssyncset.done $0x0  }
0xba: {  	s15 =	rddreg [dreg:$0x7];
	[sflag:s22] =	ssyncadd.s32 $0xFFFFE700  }
0xbb: {  	[hbm4b:s15+s3] =	stream.linear.scatter [tilespmem:s21], [sflag:$0xB], $0x1900, $0x38;
	[tilespmem:$0x12000] =	vst v63  }
0xbc: {  	_ =	swait.ge [sflag:s26], $0x1900  }
0xbd: {  	[sflag:s26] =	ssyncset.done $0x0  }
0xbe: {  	s13 =	rddreg [dreg:$0x8];
	[sflag:s26] =	ssyncadd.s32 $0xFFFFE700  }
0xbf: {  	[hbm4b:s13+s3] =	stream.linear.scatter [tilespmem:s23], [sflag:$0xC], $0x1900, $0x38;
	[tilespmem:$0x12000] =	vst v63  }
0xc0: {  	_ =	swait.ge [sflag:s2], $0x1900  }
0xc1: {  	[sflag:s2] =	ssyncset.done $0x0  }
0xc2: {  	s14 =	rddreg [dreg:$0x9];
	[sflag:s2] =	ssyncadd.s32 $0xFFFFE700  }
0xc3: {  	[hbm4b:s14+s3] =	stream.linear.scatter [tilespmem:s25], [sflag:$0xD], $0x1900, $0x38;
	[tilespmem:$0x12000] =	vst v63  }
0xc4: {  	_ =	swait.ge [sflag:s6], $0x1900  }
0xc5: {  	[sflag:s6] =	ssyncset.done $0x0  }
0xc6: {  	s15 =	rddreg [dreg:$0xa];
	[sflag:s6] =	ssyncadd.s32 $0xFFFFE700  }
0xc7: {  	[hbm4b:s15+s3] =	stream.linear.scatter [tilespmem:s28], [sflag:$0xE], $0x1900, $0x38;
	[tilespmem:$0x12000] =	vst v63  }
0xc8: {  	_ =	swait.ge [sflag:s8], $0x1900  }
0xc9: {  	[sflag:s8] =	ssyncset.done $0x0  }
0xca: {  	s13 =	rddreg [dreg:$0xb];
	[sflag:s8] =	ssyncadd.s32 $0xFFFFE700  }
0xcb: {  	[hbm4b:s13+s3] =	stream.linear.scatter [tilespmem:s30], [sflag:$0xF], $0x1900, $0x38;
	[tilespmem:$0x12000] =	vst v63  }
0xcc: {  	_ =	swait.ge [sflag:s10], $0x1900  }
0xcd: {  	[sflag:s10] =	ssyncset.done $0x0  }
0xce: {  	s14 =	rddreg [dreg:$0xc];
	[sflag:s10] =	ssyncadd.s32 $0xFFFFE700  }
0xcf: {  	[hbm4b:s14+s3] =	stream.linear.scatter [tilespmem:s0], [sflag:$0x10], $0x1900, $0x38;
	[tilespmem:$0x12000] =	vst v63  }
0xd0: {  	_ =	swait.ge [sflag:s20], $0x1900  }
0xd1: {  	[sflag:s20] =	ssyncset.done $0x0  }
0xd2: {  	[sflag:s20] =	ssyncadd.s32 $0xFFFFE700  }
0xd3: {  	_ =	swait.ge [sflag:s24], $0x1900  }
0xd4: {  	[sflag:s24] =	ssyncset.done $0x0  }
0xd5: {  	[sflag:s24] =	ssyncadd.s32 $0xFFFFE700  }
0xd6: {  	_ =	swait.ge [sflag:s29], $0x1900  }
0xd7: {  	[sflag:s29] =	ssyncset.done $0x0  }
0xd8: {  	[sflag:s29] =	ssyncadd.s32 $0xFFFFE700  }
0xd9: {  	_ =	swait.ge [sflag:s4], $0x1900  }
0xda: {  	[sflag:s4] =	ssyncset.done $0x0  }
0xdb: {  	[sflag:s4] =	ssyncadd.s32 $0xFFFFE700  }
0xdc: {  	_ =	swait.ge [sflag:s7], $0x1900  }
0xdd: {  	[sflag:s7] =	ssyncset.done $0x0  }
0xde: {  	[sflag:s7] =	ssyncadd.s32 $0xFFFFE700  }
0xdf: {  	_ =	swait.ge [sflag:s9], $0x1900  }
0xe0: {  	[sflag:s9] =	ssyncset.done $0x0  }
0xe1: {  	[sflag:s9] =	ssyncadd.s32 $0xFFFFE700  }
0xe2: {  	_ =	swait.ge [sflag:s11], $0x1900  }
0xe3: {  	[sflag:s11] =	ssyncset.done $0x0  }
0xe4: {  	[sflag:s11] =	ssyncadd.s32 $0xFFFFE700  }
0xe5: {  	_ =	swait.ge [sflag:s5], $0x1900  }
0xe6: {  	s13 =	rddreg [dreg:$0xf]  }
0xe7: {  	s15 =	rddreg [dreg:$0xd];
	s13 =	sadd.s32 $0x1, s13  }
0xe8: {  	p0 =	sne.s32 s13, s15  }
.Ltmp1:
0xe9: {  	_ = 	snop;
	(pc) =	sbr.rel @p0 .LBB2_1-.Ltmp1, $3  }
0xea: {  	_ =	sdelay $0x1  }
0xeb: {  	[sflag:s5] =	ssyncset.done $0x0  }
0xec: {  	[sflag:s5] =	ssyncadd.s32 $0xFFFFE700  }
0xed: {  	_ =	sfence.sel $0x180000  }
0xee: {  	[bflag:$0x0] =	sbarrier.arrive $0xFFFF  }
0xef: {  	_ =	strace $0x90000047  }
0xf0: {  	s0 =	stileid.u32;
	[bflag:$0x2] =	sbarrier.arrive $0xFFFF  }
0xf1: {  	p0 =	sne.s32 s0, $0x0;
	s0 =	rddreg [dreg:$0x3]  }
0xf2: {  	s0 =	sadd.s32 @!p0 $0x100000, s0  }
0xf3: {  	[sflag:s0] =	ssyncadd.tile.s32 @!p0 $0x1;
	_ =	shalt  }
.Lfunc_end2:
_tile_overlayer_lowered:
.L_overlay_start_2:
0xf4: {  	(tag) =	ssettag $0x2  }
0xf5: {  	s0 =	rddreg [dreg:$0x0];
	s2 =	stileid.u32  }
0xf6: {  	s1 =	rddreg [dreg:$0x1];
	p0 =	sne.s32 s2, $0x0  }
0xf7: {  	s3 =	rddreg [dreg:$0x2];
	[bflag:$0x3] =	sbarrier.arrive $0xFFFF;
	s2 =	simm.s32 @!p0 $0x1C11  }
0xf8: {  	[timem:s3], [sflag:s2] =	dma.local @!p0 [hbm:s0], s1  }
0xf9: {  	s0 =	simm.s32 @!p0 $0x11  }
0xfa: {  	_ =	swait.ge @!p0 [sflag:s0], s1  }
0xfb: {  	s1 =	ssub.s32 @!p0 $0x0, s1;
	[sflag:s0] =	ssyncset.done @!p0 $0x0  }
0xfc: {  	[sflag:s0] =	ssyncadd.s32 @!p0 s1  }
0xfd: {  	[bflag:$0x3] =	sbarrier.arrive $0xFFFF  }
0xfe: {  	_ =	shalt  }

</sc_bundles>
